<compile_context>
chip_gen: v7x
topology: tpu7x:2x2x1
jax: 0.10.2.dev20260603
libtpu: 0.0.44.dev20260713+nightly
codegen_flags: <defaults>
</compile_context>

<pallas_src>
import jax
import jax.numpy as jnp
from jax import lax
from jax.experimental import pallas as pl
from jax.experimental.pallas import tpu as pltpu
from jax.experimental.pallas import tpu_sc as plsc

D = 64
N_LOW = 8192
N_HIGH = 2048
VOCAB = 100000
NC, NS = 2, 16
NW = NC * NS

_N_LH = N_LOW + N_HIGH
_LH_PER_W = _N_LH // NW


def _gather_lh_body(idx_hbm, w_hbm, out_hbm, idx_v, rows_v, sem):
    wid = lax.axis_index("s") * NC + lax.axis_index("c")
    base = wid * _LH_PER_W
    pltpu.sync_copy(idx_hbm.at[pl.ds(base, _LH_PER_W)], idx_v)
    pltpu.async_copy(w_hbm.at[idx_v], rows_v, sem).wait()
    pltpu.sync_copy(rows_v, out_hbm.at[pl.ds(base, _LH_PER_W)])


def _gather_lh(idx, w):
    mesh = plsc.VectorSubcoreMesh(core_axis_name="c", subcore_axis_name="s",
                                  num_cores=NC, num_subcores=NS)
    return pl.kernel(
        _gather_lh_body,
        out_type=jax.ShapeDtypeStruct((_N_LH, D), jnp.float32),
        mesh=mesh,
        compiler_params=pltpu.CompilerParams(use_tc_tiling_on_sc=False),
        scratch_types=[
            pltpu.VMEM((_LH_PER_W,), jnp.int32),
            pltpu.VMEM((_LH_PER_W, D), jnp.float32),
            pltpu.SemaphoreType.DMA,
        ],
    )(idx, w)


_BL = 1024
_GRID = N_LOW // _BL
_DA = D + 8


def _noise_body(low_ref, high_ref, out_ref, acc_ref):
    step = pl.program_id(0)

    @pl.when(step == 0)
    def _():
        acc_ref[...] = jnp.zeros_like(acc_ref)

    low = low_ref[...]
    lemb = low[:, :D]
    high = high_ref[...]
    inv_l = 1.0 / jnp.sqrt(jnp.sum(lemb * lemb, axis=1, keepdims=True))
    inv_h = 1.0 / jnp.sqrt(jnp.sum(high * high, axis=1))
    dot = lax.dot_general(lemb, high, (((1,), (1,)), ((), ())),
                          preferred_element_type=jnp.float32)
    cos = dot * inv_l * inv_h[None, :]
    m = jnp.max(cos, axis=1, keepdims=True)
    col = lax.broadcasted_iota(jnp.int32, cos.shape, 1)
    am = jnp.min(jnp.where(cos == m, col, N_HIGH), axis=1, keepdims=True)
    w = jnp.exp(m)
    e = jnp.where(col == am, w, 0.0)
    acc_ref[...] += lax.dot_general(e, low, (((0,), (0,)), ((), ())),
                                    preferred_element_type=jnp.float32)

    @pl.when(step == _GRID - 1)
    def _():
        acc = acc_ref[...]
        den = acc[:, D:D + 1]
        out_ref[...] = jnp.where(den > 0.0, acc[:, :D] / den, 0.0)


def _compute_noise(low_aug, high_emb, interpret=False):
    return pl.pallas_call(
        _noise_body,
        grid=(_GRID,),
        in_specs=[
            pl.BlockSpec((_BL, _DA), lambda i: (i, 0)),
            pl.BlockSpec((N_HIGH, D), lambda i: (0, 0)),
        ],
        out_specs=pl.BlockSpec((N_HIGH, D), lambda i: (0, 0)),
        out_shape=jax.ShapeDtypeStruct((N_HIGH, D), jnp.float32),
        scratch_shapes=[pltpu.VMEM((N_HIGH, _DA), jnp.float32)],
        interpret=interpret,
    )(low_aug, high_emb)


_TOK = 1024 * 200
_T_PER_W = _TOK // NW
_C = 320
_NCHUNK = _T_PER_W // _C


def _combine_body(x_hbm, rev_hbm, noise_hbm, w_hbm, out_hbm,
                  xall, rall, wr0, wr1, nr0, nr1, ostage, noise_sh,
                  sx, sw0, sw1, sn0, sn1):
    sid = lax.axis_index("s")
    wid = sid * NC + lax.axis_index("c")
    tbase = wid * _T_PER_W

    @pl.when(sid == 0)
    def _():
        pltpu.sync_copy(noise_hbm, noise_sh)

    pltpu.sync_copy(x_hbm.at[pl.ds(tbase, _T_PER_W)], xall)
    pltpu.async_copy(rev_hbm.at[xall], rall, sx).wait()
    plsc.subcore_barrier()

    wrs, nrs = (wr0, wr1), (nr0, nr1)
    sws, sns = (sw0, sw1), (sn0, sn1)

    def _issue(ci, b):
        off = ci * _C
        pltpu.async_copy(w_hbm.at[xall.at[pl.ds(off, _C)]], wrs[b], sws[b])
        pltpu.async_copy(noise_sh.at[rall.at[pl.ds(off, _C)]], nrs[b], sns[b])

    for b in (0, 1):
        _issue(b, b)

    def step(i2, carry):
        for b in (0, 1):
            ci = i2 * 2 + b
            pltpu.make_async_copy(
                w_hbm.at[pl.ds(0, _C)], wrs[b], sws[b]).wait()
            pltpu.make_async_copy(
                noise_sh.at[pl.ds(0, _C)], nrs[b], sns[b]).wait()

            def row(i2, c, _b=b):
                for h in range(2):
                    for j in range(D // 16):
                        sl = pl.ds(j * 16, 16)
                        osl = pl.ds(h * D + j * 16, 16)
                        ostage[i2, osl] = (wrs[_b][2 * i2 + h, sl]
                                           + nrs[_b][2 * i2 + h, sl])
                return c

            lax.fori_loop(0, _C // 2, row, 0)
            pltpu.sync_copy(ostage,
                            out_hbm.at[pl.ds((tbase + ci * _C) // 2, _C // 2)])

            @pl.when(ci + 2 < _NCHUNK)
            def _(ci=ci, b=b):
                _issue(ci + 2, b)
        return carry

    lax.fori_loop(0, _NCHUNK // 2, step, 0)


def _combine(x_flat, rev, noise, w):
    mesh = plsc.VectorSubcoreMesh(core_axis_name="c", subcore_axis_name="s",
                                  num_cores=NC, num_subcores=NS)
    return pl.kernel(
        _combine_body,
        out_type=jax.ShapeDtypeStruct((_TOK // 2, 2 * D), jnp.float32),
        mesh=mesh,
        compiler_params=pltpu.CompilerParams(use_tc_tiling_on_sc=False),
        scratch_types=[
            pltpu.VMEM((_T_PER_W,), jnp.int32),
            pltpu.VMEM((_T_PER_W,), jnp.int32),
            pltpu.VMEM((_C, D), jnp.float32),
            pltpu.VMEM((_C, D), jnp.float32),
            pltpu.VMEM((_C, D), jnp.float32),
            pltpu.VMEM((_C, D), jnp.float32),
            pltpu.VMEM((_C // 2, 2 * D), jnp.float32),
            pltpu.VMEM_SHARED((N_HIGH + 1, D), jnp.float32),
            pltpu.SemaphoreType.DMA,
            pltpu.SemaphoreType.DMA,
            pltpu.SemaphoreType.DMA,
            pltpu.SemaphoreType.DMA,
            pltpu.SemaphoreType.DMA,
        ],
    )(x_flat, rev, noise, w)


def kernel(x, reverse_high_freqs, low_freqs, high_freqs, W):
    idx_lh = jnp.concatenate([low_freqs, high_freqs])
    rows = _gather_lh(idx_lh, W)
    low_emb = rows[:N_LOW]
    high_emb = rows[N_LOW:]
    low_aug = jnp.concatenate(
        [low_emb, jnp.ones((N_LOW, _DA - D), jnp.float32)], axis=1)
    noise = _compute_noise(low_aug, high_emb)
    noise_full = jnp.concatenate(
        [noise, jnp.zeros((1, D), jnp.float32)], axis=0)
    out = _combine(x.reshape(-1), reverse_high_freqs, noise_full, W)
    return out.reshape(x.shape[0], x.shape[1], D)

# --- scband reference (transcript-rebuilt; emitter-appended) ---
"""Pipeline reference for scband-global-low-freq-noise-by-high-freq-embeddings-2680059592963 (READ-ONLY COPY).

The authoritative reference and input builder live on the scoring server;
editing this copy changes nothing except your own understanding.
"""

import jax, jax.numpy as jnp
import numpy as np

D_MODEL = 64
VOCAB = 100000
B = 1024
L = 200
N_LOW = 8192
N_HIGH = 2048


def setup_inputs(seed: int = 0) -> dict:
    key = jax.random.key(seed)
    k1, k2, k3, k4, k5 = jax.random.split(key, 5)
    x = jax.random.randint(k1, (B, L), 0, VOCAB, dtype=jnp.int32)
    # reverse map: vocab-id -> row index into noise table [N_HIGH+1]; row N_HIGH is the all-zero
    # tail row (torch code reaches it via -1 wrapping to the last row)
    reverse_high_freqs = jax.random.randint(k2, (VOCAB,), 0, N_HIGH + 1, dtype=jnp.int32)
    low_freqs = jax.random.randint(k3, (N_LOW,), 0, VOCAB, dtype=jnp.int32)
    high_freqs = jax.random.randint(k4, (N_HIGH,), 0, VOCAB, dtype=jnp.int32)
    W = jax.random.normal(k5, (VOCAB, D_MODEL), dtype=jnp.float32)
    return {"x": x, "reverse_high_freqs": reverse_high_freqs, "low_freqs": low_freqs,
            "high_freqs": high_freqs, "W": W}


def reference(x, reverse_high_freqs, low_freqs, high_freqs, W):
    # embedding lookups
    low_freq_embedds = jnp.take(W, low_freqs, axis=0)      # [N_LOW, d]
    high_freq_embedds = jnp.take(W, high_freqs, axis=0)    # [N_HIGH, d]
    dot_products = low_freq_embedds @ high_freq_embedds.T  # [N_LOW, N_HIGH]
    norm_low = jnp.linalg.norm(low_freq_embedds, axis=1, keepdims=True)
    norm_high = jnp.linalg.norm(high_freq_embedds, axis=1, keepdims=True)
    norm_products = norm_low @ norm_high.T
    cos = dot_products / norm_products                     # [N_LOW, N_HIGH]
    n_low, n_high = cos.shape
    max_indices = jnp.argmax(cos, axis=1)                  # [N_LOW]
    max_values = jnp.take_along_axis(cos, max_indices[:, None], axis=1)[:, 0]
    result = jnp.full((n_low + 1, n_high), -jnp.inf, dtype=cos.dtype)
    result = result.at[jnp.arange(n_low), max_indices].set(max_values)
    result = result.at[-1, :].set(-10000.0)
    result = result.T                                      # [N_HIGH, N_LOW+1]
    softmax_res = jax.nn.softmax(result, axis=1)
    softmax_res_del_tail = softmax_res[:, :-1]             # [N_HIGH, N_LOW]
    noise_embedds = jnp.zeros((n_high + 1, D_MODEL), dtype=W.dtype)
    noise_embedds = noise_embedds.at[:-1, :].set(softmax_res_del_tail @ low_freq_embedds)
    embedds = jnp.take(W, x, axis=0) + jnp.take(noise_embedds, jnp.take(reverse_high_freqs, x, axis=0), axis=0)
    return embedds

if __name__ == "__main__":
    import jax
    _d = setup_inputs()
    print(jax.jit(kernel)(*tuple(_d.values())))

</pallas_src>

<mosaic_0001>
#map = affine_map<(d0, d1) -> (0)>
#map1 = affine_map<(d0, d1) -> (0, 0)>
module attributes {stable_mosaic.version = 14 : i64} {
  func.func @_combine_body(%arg0: i32, %arg1: i32, %arg2: memref<204800xi32, #tpu.memory_space<hbm>>, %arg3: memref<100000xi32, #tpu.memory_space<hbm>>, %arg4: memref<2049x64xf32, #tpu.memory_space<hbm>>, %arg5: memref<100000x64xf32, #tpu.memory_space<hbm>>, %arg6: memref<102400x128xf32, #tpu.memory_space<hbm>>, %arg7: memref<6400xi32, #tpu.memory_space<vmem>>, %arg8: memref<6400xi32, #tpu.memory_space<vmem>>, %arg9: memref<320x64xf32, #tpu.memory_space<vmem>>, %arg10: memref<320x64xf32, #tpu.memory_space<vmem>>, %arg11: memref<320x64xf32, #tpu.memory_space<vmem>>, %arg12: memref<320x64xf32, #tpu.memory_space<vmem>>, %arg13: memref<160x128xf32, #tpu.memory_space<vmem>>, %arg14: memref<2049x64xf32, #tpu.memory_space<vmem_shared>>, %arg15: memref<!tpu.dma_semaphore, #tpu.memory_space<semaphore_mem>>, %arg16: memref<!tpu.dma_semaphore, #tpu.memory_space<semaphore_mem>>, %arg17: memref<!tpu.dma_semaphore, #tpu.memory_space<semaphore_mem>>, %arg18: memref<!tpu.dma_semaphore, #tpu.memory_space<semaphore_mem>>, %arg19: memref<!tpu.dma_semaphore, #tpu.memory_space<semaphore_mem>>) attributes {dimension_semantics = [#tpu.dimension_semantics<core_parallel>, #tpu.dimension_semantics<subcore_parallel>], iteration_bounds = array<i64: 2, 16>, scalar_prefetch = 0 : i64, scratch_operands = 13 : i64, tpu.core_type = #tpu.core_type<sc_vector_subcore>, window_params = [{transform_indices = #map}, {transform_indices = #map}, {transform_indices = #map1}, {transform_indices = #map1}, {transform_indices = #map1}]} {
    %mul3A = arith.constant 2 : i32
    %mul3A_0 = arith.muli %arg1, %mul3A : i32
    %add3A = arith.addi %mul3A_0, %arg0 : i32
    %mul3A_1 = arith.constant 6400 : i32
    %mul3A_2 = arith.muli %add3A, %mul3A_1 : i32
    %eq3A = arith.constant 0 : i32
    %eq3A_3 = arith.cmpi eq, %arg1, %eq3A : i32
    %convert_element_type3A = arith.extui %eq3A_3 : i1 to i32
    %cond3A = arith.constant 0 : i32
    %cond3A_4 = arith.cmpi ne, %convert_element_type3A, %cond3A : i32
    scf.if %cond3A_4 {
      "tpu.region"() ({
        %run_scoped3A = tpu.sem_alloc : memref<!tpu.dma_semaphore, #tpu.memory_space<semaphore_mem>>
        tpu.enqueue_dma source(%arg4 : memref<2049x64xf32, #tpu.memory_space<hbm>>) target(%arg14 : memref<2049x64xf32, #tpu.memory_space<vmem_shared>>) target_semaphore(%run_scoped3A : memref<!tpu.dma_semaphore, #tpu.memory_space<semaphore_mem>>)
        tpu.wait_dma2 semaphore(%run_scoped3A : memref<!tpu.dma_semaphore, #tpu.memory_space<semaphore_mem>>) src(%arg4 : memref<2049x64xf32, #tpu.memory_space<hbm>>) dst(%arg14 : memref<2049x64xf32, #tpu.memory_space<vmem_shared>>)
        tpu.yield
      }) : () -> ()
    } else {
    }
    "tpu.region"() ({
      %run_scoped3A = tpu.sem_alloc : memref<!tpu.dma_semaphore, #tpu.memory_space<semaphore_mem>>
      %dma_start3A_32 = tpu.memref_slice %arg2[%mul3A_2] : memref<204800xi32, #tpu.memory_space<hbm>> -> memref<6400xi32, #tpu.memory_space<hbm>>
      %dma_start3A_33 = tpu.memref_slice %arg2[%mul3A_2] : memref<204800xi32, #tpu.memory_space<hbm>> -> memref<6400xi32, #tpu.memory_space<hbm>>
      tpu.enqueue_dma source(%dma_start3A_33 : memref<6400xi32, #tpu.memory_space<hbm>>) target(%arg7 : memref<6400xi32, #tpu.memory_space<vmem>>) target_semaphore(%run_scoped3A : memref<!tpu.dma_semaphore, #tpu.memory_space<semaphore_mem>>)
      %dma_wait3A_34 = tpu.memref_slice %arg2[%mul3A_2] : memref<204800xi32, #tpu.memory_space<hbm>> -> memref<6400xi32, #tpu.memory_space<hbm>>
      %dma_wait3A_35 = tpu.memref_slice %arg2[%mul3A_2] : memref<204800xi32, #tpu.memory_space<hbm>> -> memref<6400xi32, #tpu.memory_space<hbm>>
      tpu.wait_dma2 semaphore(%run_scoped3A : memref<!tpu.dma_semaphore, #tpu.memory_space<semaphore_mem>>) src(%dma_wait3A_35 : memref<6400xi32, #tpu.memory_space<hbm>>) dst(%arg7 : memref<6400xi32, #tpu.memory_space<vmem>>)
      tpu.yield
    }) : () -> ()
    %dma_start3A = arith.constant 0 : i32
    %dma_start3A_5 = tpu.memref_slice %arg3[%dma_start3A] : memref<100000xi32, #tpu.memory_space<hbm>> -> memref<100000xi32, #tpu.memory_space<hbm>>
    tpu.enqueue_indirect_dma source(%dma_start3A_5 : memref<100000xi32, #tpu.memory_space<hbm>>) target(%arg8 : memref<6400xi32, #tpu.memory_space<vmem>>) offsets(%arg7 : memref<6400xi32, #tpu.memory_space<vmem>>) semaphore(%arg15 : memref<!tpu.dma_semaphore, #tpu.memory_space<semaphore_mem>>)
    %dma_wait3A = arith.constant 0 : i32
    %dma_wait3A_6 = tpu.memref_slice %arg3[%dma_wait3A] : memref<100000xi32, #tpu.memory_space<hbm>> -> memref<100000xi32, #tpu.memory_space<hbm>>
    tpu.wait_indirect_dma semaphore(%arg15 : memref<!tpu.dma_semaphore, #tpu.memory_space<semaphore_mem>>) src(%dma_wait3A_6 : memref<100000xi32, #tpu.memory_space<hbm>>) dst(%arg8 : memref<6400xi32, #tpu.memory_space<vmem>>)
    %barrier3A = arith.constant 0 : index
    tpu.barrier barrier_id(%barrier3A)
    %dma_start3A_7 = arith.constant 0 : i32
    %dma_start3A_8 = tpu.memref_slice %arg7[%dma_start3A_7] : memref<6400xi32, #tpu.memory_space<vmem>> -> memref<320xi32, #tpu.memory_space<vmem>>
    %dma_start3A_9 = arith.constant 0 : i32
    %dma_start3A_10 = arith.constant 0 : i32
    %dma_start3A_11 = tpu.memref_slice %arg5[%dma_start3A_9, %dma_start3A_10] : memref<100000x64xf32, #tpu.memory_space<hbm>> -> memref<100000x64xf32, #tpu.memory_space<hbm>>
    tpu.enqueue_indirect_dma source(%dma_start3A_11 : memref<100000x64xf32, #tpu.memory_space<hbm>>) target(%arg9 : memref<320x64xf32, #tpu.memory_space<vmem>>) offsets(%dma_start3A_8 : memref<320xi32, #tpu.memory_space<vmem>>) semaphore(%arg16 : memref<!tpu.dma_semaphore, #tpu.memory_space<semaphore_mem>>)
    %dma_start3A_12 = arith.constant 0 : i32
    %dma_start3A_13 = tpu.memref_slice %arg8[%dma_start3A_12] : memref<6400xi32, #tpu.memory_space<vmem>> -> memref<320xi32, #tpu.memory_space<vmem>>
    %dma_start3A_14 = arith.constant 0 : i32
    %dma_start3A_15 = arith.constant 0 : i32
    %dma_start3A_16 = tpu.memref_slice %arg14[%dma_start3A_14, %dma_start3A_15] : memref<2049x64xf32, #tpu.memory_space<vmem_shared>> -> memref<2049x64xf32, #tpu.memory_space<vmem_shared>>
    tpu.enqueue_indirect_dma source(%dma_start3A_16 : memref<2049x64xf32, #tpu.memory_space<vmem_shared>>) target(%arg11 : memref<320x64xf32, #tpu.memory_space<vmem>>) offsets(%dma_start3A_13 : memref<320xi32, #tpu.memory_space<vmem>>) semaphore(%arg18 : memref<!tpu.dma_semaphore, #tpu.memory_space<semaphore_mem>>)
    %dma_start3A_17 = arith.constant 320 : i32
    %dma_start3A_18 = tpu.memref_slice %arg7[%dma_start3A_17] : memref<6400xi32, #tpu.memory_space<vmem>> -> memref<320xi32, #tpu.memory_space<vmem>>
    %dma_start3A_19 = arith.constant 0 : i32
    %dma_start3A_20 = arith.constant 0 : i32
    %dma_start3A_21 = tpu.memref_slice %arg5[%dma_start3A_19, %dma_start3A_20] : memref<100000x64xf32, #tpu.memory_space<hbm>> -> memref<100000x64xf32, #tpu.memory_space<hbm>>
    tpu.enqueue_indirect_dma source(%dma_start3A_21 : memref<100000x64xf32, #tpu.memory_space<hbm>>) target(%arg10 : memref<320x64xf32, #tpu.memory_space<vmem>>) offsets(%dma_start3A_18 : memref<320xi32, #tpu.memory_space<vmem>>) semaphore(%arg17 : memref<!tpu.dma_semaphore, #tpu.memory_space<semaphore_mem>>)
    %dma_start3A_22 = arith.constant 320 : i32
    %dma_start3A_23 = tpu.memref_slice %arg8[%dma_start3A_22] : memref<6400xi32, #tpu.memory_space<vmem>> -> memref<320xi32, #tpu.memory_space<vmem>>
    %dma_start3A_24 = arith.constant 0 : i32
    %dma_start3A_25 = arith.constant 0 : i32
    %dma_start3A_26 = tpu.memref_slice %arg14[%dma_start3A_24, %dma_start3A_25] : memref<2049x64xf32, #tpu.memory_space<vmem_shared>> -> memref<2049x64xf32, #tpu.memory_space<vmem_shared>>
    tpu.enqueue_indirect_dma source(%dma_start3A_26 : memref<2049x64xf32, #tpu.memory_space<vmem_shared>>) target(%arg12 : memref<320x64xf32, #tpu.memory_space<vmem>>) offsets(%dma_start3A_23 : memref<320xi32, #tpu.memory_space<vmem>>) semaphore(%arg19 : memref<!tpu.dma_semaphore, #tpu.memory_space<semaphore_mem>>)
    %scan3A = arith.constant 0 : i32
    %scan3A_27 = arith.constant 0 : i32
    %scan3A_28 = arith.constant 10 : i32
    %scan3A_29 = arith.addi %scan3A_27, %scan3A_28 : i32
    %scan3A_30 = arith.constant 1 : i32
    scf.for %scan3A_32 = %scan3A_27 to %scan3A_29 step %scan3A_30  : i32 {
      %mul3A_33 = arith.constant 2 : i32
      %mul3A_34 = arith.muli %scan3A_32, %mul3A_33 : i32
      %add3A_35 = arith.constant 0 : i32
      %add3A_36 = arith.addi %mul3A_34, %add3A_35 : i32
      %dma_wait3A_37 = arith.constant 0 : i32
      %dma_wait3A_38 = arith.constant 0 : i32
      %dma_wait3A_39 = tpu.memref_slice %arg5[%dma_wait3A_37, %dma_wait3A_38] : memref<100000x64xf32, #tpu.memory_space<hbm>> -> memref<320x64xf32, #tpu.memory_space<hbm>>
      %dma_wait3A_40 = arith.constant 0 : i32
      %dma_wait3A_41 = arith.constant 0 : i32
      %dma_wait3A_42 = tpu.memref_slice %arg5[%dma_wait3A_40, %dma_wait3A_41] : memref<100000x64xf32, #tpu.memory_space<hbm>> -> memref<320x64xf32, #tpu.memory_space<hbm>>
      tpu.wait_dma2 semaphore(%arg16 : memref<!tpu.dma_semaphore, #tpu.memory_space<semaphore_mem>>) src(%dma_wait3A_42 : memref<320x64xf32, #tpu.memory_space<hbm>>) dst(%arg9 : memref<320x64xf32, #tpu.memory_space<vmem>>)
      %dma_wait3A_43 = arith.constant 0 : i32
      %dma_wait3A_44 = arith.constant 0 : i32
      %dma_wait3A_45 = tpu.memref_slice %arg14[%dma_wait3A_43, %dma_wait3A_44] : memref<2049x64xf32, #tpu.memory_space<vmem_shared>> -> memref<320x64xf32, #tpu.memory_space<vmem_shared>>
      %dma_wait3A_46 = arith.constant 0 : i32
      %dma_wait3A_47 = arith.constant 0 : i32
      %dma_wait3A_48 = tpu.memref_slice %arg14[%dma_wait3A_46, %dma_wait3A_47] : memref<2049x64xf32, #tpu.memory_space<vmem_shared>> -> memref<320x64xf32, #tpu.memory_space<vmem_shared>>
      tpu.wait_dma2 semaphore(%arg18 : memref<!tpu.dma_semaphore, #tpu.memory_space<semaphore_mem>>) src(%dma_wait3A_48 : memref<320x64xf32, #tpu.memory_space<vmem_shared>>) dst(%arg11 : memref<320x64xf32, #tpu.memory_space<vmem>>)
      %scan3A_49 = arith.constant 0 : i32
      %scan3A_50 = arith.constant 0 : i32
      %scan3A_51 = arith.constant 160 : i32
      %scan3A_52 = arith.addi %scan3A_50, %scan3A_51 : i32
      %scan3A_53 = arith.constant 1 : i32
      scf.for %scan3A_136 = %scan3A_50 to %scan3A_52 step %scan3A_53  : i32 {
        %mul3A_137 = arith.constant 2 : i32
        %mul3A_138 = arith.muli %mul3A_137, %scan3A_136 : i32
        %add3A_139 = arith.constant 0 : i32
        %add3A_140 = arith.addi %mul3A_138, %add3A_139 : i32
        %get3A = arith.index_cast %add3A_140 : i32 to index
        %get3A_141 = arith.constant 0 : index
        %get3A_142 = tpu.vector_load %arg9[%get3A, %get3A_141] {strides = array<i32>} : memref<320x64xf32, #tpu.memory_space<vmem>>, vector<1x16xf32>,
        %get3A_143 = vector.shape_cast %get3A_142 : vector<1x16xf32> to vector<16xf32>
        %mul3A_144 = arith.constant 2 : i32
        %mul3A_145 = arith.muli %mul3A_144, %scan3A_136 : i32
        %add3A_146 = arith.constant 0 : i32
        %add3A_147 = arith.addi %mul3A_145, %add3A_146 : i32
        %get3A_148 = arith.index_cast %add3A_147 : i32 to index
        %get3A_149 = arith.constant 0 : index
        %get3A_150 = tpu.vector_load %arg11[%get3A_148, %get3A_149] {strides = array<i32>} : memref<320x64xf32, #tpu.memory_space<vmem>>, vector<1x16xf32>,
        %get3A_151 = vector.shape_cast %get3A_150 : vector<1x16xf32> to vector<16xf32>
        %add3A_152 = arith.addf %get3A_143, %get3A_151 : vector<16xf32>
        %swap3A = arith.index_cast %scan3A_136 : i32 to index
        %swap3A_153 = arith.constant 0 : index
        %swap3A_154 = tpu.vector_load %arg13[%swap3A, %swap3A_153] {strides = array<i32>} : memref<160x128xf32, #tpu.memory_space<vmem>>, vector<1x16xf32>,
        %swap3A_155 = vector.shape_cast %swap3A_154 : vector<1x16xf32> to vector<16xf32>
        %swap3A_156 = vector.shape_cast %add3A_152 : vector<16xf32> to vector<1x16xf32>
        tpu.vector_store %arg13[%swap3A, %swap3A_153], %swap3A_156 {strides = array<i32>} : memref<160x128xf32, #tpu.memory_space<vmem>>, vector<1x16xf32>,
        %mul3A_157 = arith.constant 2 : i32
        %mul3A_158 = arith.muli %mul3A_157, %scan3A_136 : i32
        %add3A_159 = arith.constant 0 : i32
        %add3A_160 = arith.addi %mul3A_158, %add3A_159 : i32
        %get3A_161 = arith.index_cast %add3A_160 : i32 to index
        %get3A_162 = arith.constant 16 : index
        %get3A_163 = tpu.vector_load %arg9[%get3A_161, %get3A_162] {strides = array<i32>} : memref<320x64xf32, #tpu.memory_space<vmem>>, vector<1x16xf32>,
        %get3A_164 = vector.shape_cast %get3A_163 : vector<1x16xf32> to vector<16xf32>
        %mul3A_165 = arith.constant 2 : i32
        %mul3A_166 = arith.muli %mul3A_165, %scan3A_136 : i32
        %add3A_167 = arith.constant 0 : i32
        %add3A_168 = arith.addi %mul3A_166, %add3A_167 : i32
        %get3A_169 = arith.index_cast %add3A_168 : i32 to index
        %get3A_170 = arith.constant 16 : index
        %get3A_171 = tpu.vector_load %arg11[%get3A_169, %get3A_170] {strides = array<i32>} : memref<320x64xf32, #tpu.memory_space<vmem>>, vector<1x16xf32>,
        %get3A_172 = vector.shape_cast %get3A_171 : vector<1x16xf32> to vector<16xf32>
        %add3A_173 = arith.addf %get3A_164, %get3A_172 : vector<16xf32>
        %swap3A_174 = arith.index_cast %scan3A_136 : i32 to index
        %swap3A_175 = arith.constant 16 : index
        %swap3A_176 = tpu.vector_load %arg13[%swap3A_174, %swap3A_175] {strides = array<i32>} : memref<160x128xf32, #tpu.memory_space<vmem>>, vector<1x16xf32>,
        %swap3A_177 = vector.shape_cast %swap3A_176 : vector<1x16xf32> to vector<16xf32>
        %swap3A_178 = vector.shape_cast %add3A_173 : vector<16xf32> to vector<1x16xf32>
        tpu.vector_store %arg13[%swap3A_174, %swap3A_175], %swap3A_178 {strides = array<i32>} : memref<160x128xf32, #tpu.memory_space<vmem>>, vector<1x16xf32>,
        %mul3A_179 = arith.constant 2 : i32
        %mul3A_180 = arith.muli %mul3A_179, %scan3A_136 : i32
        %add3A_181 = arith.constant 0 : i32
        %add3A_182 = arith.addi %mul3A_180, %add3A_181 : i32
        %get3A_183 = arith.index_cast %add3A_182 : i32 to index
        %get3A_184 = arith.constant 32 : index
        %get3A_185 = tpu.vector_load %arg9[%get3A_183, %get3A_184] {strides = array<i32>} : memref<320x64xf32, #tpu.memory_space<vmem>>, vector<1x16xf32>,
        %get3A_186 = vector.shape_cast %get3A_185 : vector<1x16xf32> to vector<16xf32>
        %mul3A_187 = arith.constant 2 : i32
        %mul3A_188 = arith.muli %mul3A_187, %scan3A_136 : i32
        %add3A_189 = arith.constant 0 : i32
        %add3A_190 = arith.addi %mul3A_188, %add3A_189 : i32
        %get3A_191 = arith.index_cast %add3A_190 : i32 to index
        %get3A_192 = arith.constant 32 : index
        %get3A_193 = tpu.vector_load %arg11[%get3A_191, %get3A_192] {strides = array<i32>} : memref<320x64xf32, #tpu.memory_space<vmem>>, vector<1x16xf32>,
        %get3A_194 = vector.shape_cast %get3A_193 : vector<1x16xf32> to vector<16xf32>
        %add3A_195 = arith.addf %get3A_186, %get3A_194 : vector<16xf32>
        %swap3A_196 = arith.index_cast %scan3A_136 : i32 to index
        %swap3A_197 = arith.constant 32 : index
        %swap3A_198 = tpu.vector_load %arg13[%swap3A_196, %swap3A_197] {strides = array<i32>} : memref<160x128xf32, #tpu.memory_space<vmem>>, vector<1x16xf32>,
        %swap3A_199 = vector.shape_cast %swap3A_198 : vector<1x16xf32> to vector<16xf32>
        %swap3A_200 = vector.shape_cast %add3A_195 : vector<16xf32> to vector<1x16xf32>
        tpu.vector_store %arg13[%swap3A_196, %swap3A_197], %swap3A_200 {strides = array<i32>} : memref<160x128xf32, #tpu.memory_space<vmem>>, vector<1x16xf32>,
        %mul3A_201 = arith.constant 2 : i32
        %mul3A_202 = arith.muli %mul3A_201, %scan3A_136 : i32
        %add3A_203 = arith.constant 0 : i32
        %add3A_204 = arith.addi %mul3A_202, %add3A_203 : i32
        %get3A_205 = arith.index_cast %add3A_204 : i32 to index
        %get3A_206 = arith.constant 48 : index
        %get3A_207 = tpu.vector_load %arg9[%get3A_205, %get3A_206] {strides = array<i32>} : memref<320x64xf32, #tpu.memory_space<vmem>>, vector<1x16xf32>,
        %get3A_208 = vector.shape_cast %get3A_207 : vector<1x16xf32> to vector<16xf32>
        %mul3A_209 = arith.constant 2 : i32
        %mul3A_210 = arith.muli %mul3A_209, %scan3A_136 : i32
        %add3A_211 = arith.constant 0 : i32
        %add3A_212 = arith.addi %mul3A_210, %add3A_211 : i32
        %get3A_213 = arith.index_cast %add3A_212 : i32 to index
        %get3A_214 = arith.constant 48 : index
        %get3A_215 = tpu.vector_load %arg11[%get3A_213, %get3A_214] {strides = array<i32>} : memref<320x64xf32, #tpu.memory_space<vmem>>, vector<1x16xf32>,
        %get3A_216 = vector.shape_cast %get3A_215 : vector<1x16xf32> to vector<16xf32>
        %add3A_217 = arith.addf %get3A_208, %get3A_216 : vector<16xf32>
        %swap3A_218 = arith.index_cast %scan3A_136 : i32 to index
        %swap3A_219 = arith.constant 48 : index
        %swap3A_220 = tpu.vector_load %arg13[%swap3A_218, %swap3A_219] {strides = array<i32>} : memref<160x128xf32, #tpu.memory_space<vmem>>, vector<1x16xf32>,
        %swap3A_221 = vector.shape_cast %swap3A_220 : vector<1x16xf32> to vector<16xf32>
        %swap3A_222 = vector.shape_cast %add3A_217 : vector<16xf32> to vector<1x16xf32>
        tpu.vector_store %arg13[%swap3A_218, %swap3A_219], %swap3A_222 {strides = array<i32>} : memref<160x128xf32, #tpu.memory_space<vmem>>, vector<1x16xf32>,
        %mul3A_223 = arith.constant 2 : i32
        %mul3A_224 = arith.muli %mul3A_223, %scan3A_136 : i32
        %add3A_225 = arith.constant 1 : i32
        %add3A_226 = arith.addi %mul3A_224, %add3A_225 : i32
        %get3A_227 = arith.index_cast %add3A_226 : i32 to index
        %get3A_228 = arith.constant 0 : index
        %get3A_229 = tpu.vector_load %arg9[%get3A_227, %get3A_228] {strides = array<i32>} : memref<320x64xf32, #tpu.memory_space<vmem>>, vector<1x16xf32>,
        %get3A_230 = vector.shape_cast %get3A_229 : vector<1x16xf32> to vector<16xf32>
        %mul3A_231 = arith.constant 2 : i32
        %mul3A_232 = arith.muli %mul3A_231, %scan3A_136 : i32
        %add3A_233 = arith.constant 1 : i32
        %add3A_234 = arith.addi %mul3A_232, %add3A_233 : i32
        %get3A_235 = arith.index_cast %add3A_234 : i32 to index
        %get3A_236 = arith.constant 0 : index
        %get3A_237 = tpu.vector_load %arg11[%get3A_235, %get3A_236] {strides = array<i32>} : memref<320x64xf32, #tpu.memory_space<vmem>>, vector<1x16xf32>,
        %get3A_238 = vector.shape_cast %get3A_237 : vector<1x16xf32> to vector<16xf32>
        %add3A_239 = arith.addf %get3A_230, %get3A_238 : vector<16xf32>
        %swap3A_240 = arith.index_cast %scan3A_136 : i32 to index
        %swap3A_241 = arith.constant 64 : index
        %swap3A_242 = tpu.vector_load %arg13[%swap3A_240, %swap3A_241] {strides = array<i32>} : memref<160x128xf32, #tpu.memory_space<vmem>>, vector<1x16xf32>,
        %swap3A_243 = vector.shape_cast %swap3A_242 : vector<1x16xf32> to vector<16xf32>
        %swap3A_244 = vector.shape_cast %add3A_239 : vector<16xf32> to vector<1x16xf32>
        tpu.vector_store %arg13[%swap3A_240, %swap3A_241], %swap3A_244 {strides = array<i32>} : memref<160x128xf32, #tpu.memory_space<vmem>>, vector<1x16xf32>,
        %mul3A_245 = arith.constant 2 : i32
        %mul3A_246 = arith.muli %mul3A_245, %scan3A_136 : i32
        %add3A_247 = arith.constant 1 : i32
        %add3A_248 = arith.addi %mul3A_246, %add3A_247 : i32
        %get3A_249 = arith.index_cast %add3A_248 : i32 to index
        %get3A_250 = arith.constant 16 : index
        %get3A_251 = tpu.vector_load %arg9[%get3A_249, %get3A_250] {strides = array<i32>} : memref<320x64xf32, #tpu.memory_space<vmem>>, vector<1x16xf32>,
        %get3A_252 = vector.shape_cast %get3A_251 : vector<1x16xf32> to vector<16xf32>
        %mul3A_253 = arith.constant 2 : i32
        %mul3A_254 = arith.muli %mul3A_253, %scan3A_136 : i32
        %add3A_255 = arith.constant 1 : i32
        %add3A_256 = arith.addi %mul3A_254, %add3A_255 : i32
        %get3A_257 = arith.index_cast %add3A_256 : i32 to index
        %get3A_258 = arith.constant 16 : index
        %get3A_259 = tpu.vector_load %arg11[%get3A_257, %get3A_258] {strides = array<i32>} : memref<320x64xf32, #tpu.memory_space<vmem>>, vector<1x16xf32>,
        %get3A_260 = vector.shape_cast %get3A_259 : vector<1x16xf32> to vector<16xf32>
        %add3A_261 = arith.addf %get3A_252, %get3A_260 : vector<16xf32>
        %swap3A_262 = arith.index_cast %scan3A_136 : i32 to index
        %swap3A_263 = arith.constant 80 : index
        %swap3A_264 = tpu.vector_load %arg13[%swap3A_262, %swap3A_263] {strides = array<i32>} : memref<160x128xf32, #tpu.memory_space<vmem>>, vector<1x16xf32>,
        %swap3A_265 = vector.shape_cast %swap3A_264 : vector<1x16xf32> to vector<16xf32>
        %swap3A_266 = vector.shape_cast %add3A_261 : vector<16xf32> to vector<1x16xf32>
        tpu.vector_store %arg13[%swap3A_262, %swap3A_263], %swap3A_266 {strides = array<i32>} : memref<160x128xf32, #tpu.memory_space<vmem>>, vector<1x16xf32>,
        %mul3A_267 = arith.constant 2 : i32
        %mul3A_268 = arith.muli %mul3A_267, %scan3A_136 : i32
        %add3A_269 = arith.constant 1 : i32
        %add3A_270 = arith.addi %mul3A_268, %add3A_269 : i32
        %get3A_271 = arith.index_cast %add3A_270 : i32 to index
        %get3A_272 = arith.constant 32 : index
        %get3A_273 = tpu.vector_load %arg9[%get3A_271, %get3A_272] {strides = array<i32>} : memref<320x64xf32, #tpu.memory_space<vmem>>, vector<1x16xf32>,
        %get3A_274 = vector.shape_cast %get3A_273 : vector<1x16xf32> to vector<16xf32>
        %mul3A_275 = arith.constant 2 : i32
        %mul3A_276 = arith.muli %mul3A_275, %scan3A_136 : i32
        %add3A_277 = arith.constant 1 : i32
        %add3A_278 = arith.addi %mul3A_276, %add3A_277 : i32
        %get3A_279 = arith.index_cast %add3A_278 : i32 to index
        %get3A_280 = arith.constant 32 : index
        %get3A_281 = tpu.vector_load %arg11[%get3A_279, %get3A_280] {strides = array<i32>} : memref<320x64xf32, #tpu.memory_space<vmem>>, vector<1x16xf32>,
        %get3A_282 = vector.shape_cast %get3A_281 : vector<1x16xf32> to vector<16xf32>
        %add3A_283 = arith.addf %get3A_274, %get3A_282 : vector<16xf32>
        %swap3A_284 = arith.index_cast %scan3A_136 : i32 to index
        %swap3A_285 = arith.constant 96 : index
        %swap3A_286 = tpu.vector_load %arg13[%swap3A_284, %swap3A_285] {strides = array<i32>} : memref<160x128xf32, #tpu.memory_space<vmem>>, vector<1x16xf32>,
        %swap3A_287 = vector.shape_cast %swap3A_286 : vector<1x16xf32> to vector<16xf32>
        %swap3A_288 = vector.shape_cast %add3A_283 : vector<16xf32> to vector<1x16xf32>
        tpu.vector_store %arg13[%swap3A_284, %swap3A_285], %swap3A_288 {strides = array<i32>} : memref<160x128xf32, #tpu.memory_space<vmem>>, vector<1x16xf32>,
        %mul3A_289 = arith.constant 2 : i32
        %mul3A_290 = arith.muli %mul3A_289, %scan3A_136 : i32
        %add3A_291 = arith.constant 1 : i32
        %add3A_292 = arith.addi %mul3A_290, %add3A_291 : i32
        %get3A_293 = arith.index_cast %add3A_292 : i32 to index
        %get3A_294 = arith.constant 48 : index
        %get3A_295 = tpu.vector_load %arg9[%get3A_293, %get3A_294] {strides = array<i32>} : memref<320x64xf32, #tpu.memory_space<vmem>>, vector<1x16xf32>,
        %get3A_296 = vector.shape_cast %get3A_295 : vector<1x16xf32> to vector<16xf32>
        %mul3A_297 = arith.constant 2 : i32
        %mul3A_298 = arith.muli %mul3A_297, %scan3A_136 : i32
        %add3A_299 = arith.constant 1 : i32
        %add3A_300 = arith.addi %mul3A_298, %add3A_299 : i32
        %get3A_301 = arith.index_cast %add3A_300 : i32 to index
        %get3A_302 = arith.constant 48 : index
        %get3A_303 = tpu.vector_load %arg11[%get3A_301, %get3A_302] {strides = array<i32>} : memref<320x64xf32, #tpu.memory_space<vmem>>, vector<1x16xf32>,
        %get3A_304 = vector.shape_cast %get3A_303 : vector<1x16xf32> to vector<16xf32>
        %add3A_305 = arith.addf %get3A_296, %get3A_304 : vector<16xf32>
        %swap3A_306 = arith.index_cast %scan3A_136 : i32 to index
        %swap3A_307 = arith.constant 112 : index
        %swap3A_308 = tpu.vector_load %arg13[%swap3A_306, %swap3A_307] {strides = array<i32>} : memref<160x128xf32, #tpu.memory_space<vmem>>, vector<1x16xf32>,
        %swap3A_309 = vector.shape_cast %swap3A_308 : vector<1x16xf32> to vector<16xf32>
        %swap3A_310 = vector.shape_cast %add3A_305 : vector<16xf32> to vector<1x16xf32>
        tpu.vector_store %arg13[%swap3A_306, %swap3A_307], %swap3A_310 {strides = array<i32>} : memref<160x128xf32, #tpu.memory_space<vmem>>, vector<1x16xf32>,
      }
      %scan3A_54 = arith.constant 160 : i32
      %mul3A_55 = arith.constant 320 : i32
      %mul3A_56 = arith.muli %add3A_36, %mul3A_55 : i32
      %add3A_57 = arith.addi %mul3A_2, %mul3A_56 : i32
      %jit3A = arith.constant 2 : i32
      %div3A = arith.divsi %add3A_57, %jit3A : i32
      %sign3A = arith.constant 0 : i32
      %sign3A_58 = arith.cmpi sgt, %add3A_57, %sign3A : i32
      %sign3A_59 = arith.extui %sign3A_58 : i1 to i32
      %sign3A_60 = arith.constant 0 : i32
      %sign3A_61 = arith.cmpi slt, %add3A_57, %sign3A_60 : i32
      %sign3A_62 = arith.extui %sign3A_61 : i1 to i32
      %sign3A_63 = arith.subi %sign3A_59, %sign3A_62 : i32
      %sign3A_64 = arith.constant 0 : i32
      %sign3A_65 = arith.cmpi sgt, %jit3A, %sign3A_64 : i32
      %sign3A_66 = arith.extui %sign3A_65 : i1 to i32
      %sign3A_67 = arith.constant 0 : i32
      %sign3A_68 = arith.cmpi slt, %jit3A, %sign3A_67 : i32
      %sign3A_69 = arith.extui %sign3A_68 : i1 to i32
      %sign3A_70 = arith.subi %sign3A_66, %sign3A_69 : i32
      %ne3A = arith.cmpi ne, %sign3A_63, %sign3A_70 : i32
      %rem3A = arith.remsi %add3A_57, %jit3A : i32
      %ne3A_71 = arith.constant 0 : i32
      %ne3A_72 = arith.cmpi ne, %rem3A, %ne3A_71 : i32
      %and3A = arith.andi %ne3A, %ne3A_72 : i1
      %sub3A = arith.constant 1 : i32
      %sub3A_73 = arith.subi %div3A, %sub3A : i32
      %select_n3A = arith.select %and3A, %sub3A_73, %div3A : i32
      "tpu.region"() ({
        %run_scoped3A = tpu.sem_alloc : memref<!tpu.dma_semaphore, #tpu.memory_space<semaphore_mem>>
        %dma_start3A_136 = arith.constant 0 : i32
        %dma_start3A_137 = tpu.memref_slice %arg6[%select_n3A, %dma_start3A_136] : memref<102400x128xf32, #tpu.memory_space<hbm>> -> memref<160x128xf32, #tpu.memory_space<hbm>>
        %dma_start3A_138 = arith.constant 0 : i32
        %dma_start3A_139 = tpu.memref_slice %arg6[%select_n3A, %dma_start3A_138] : memref<102400x128xf32, #tpu.memory_space<hbm>> -> memref<160x128xf32, #tpu.memory_space<hbm>>
        tpu.enqueue_dma source(%arg13 : memref<160x128xf32, #tpu.memory_space<vmem>>) target(%dma_start3A_139 : memref<160x128xf32, #tpu.memory_space<hbm>>) target_semaphore(%run_scoped3A : memref<!tpu.dma_semaphore, #tpu.memory_space<semaphore_mem>>)
        %dma_wait3A_140 = arith.constant 0 : i32
        %dma_wait3A_141 = tpu.memref_slice %arg6[%select_n3A, %dma_wait3A_140] : memref<102400x128xf32, #tpu.memory_space<hbm>> -> memref<160x128xf32, #tpu.memory_space<hbm>>
        %dma_wait3A_142 = arith.constant 0 : i32
        %dma_wait3A_143 = tpu.memref_slice %arg6[%select_n3A, %dma_wait3A_142] : memref<102400x128xf32, #tpu.memory_space<hbm>> -> memref<160x128xf32, #tpu.memory_space<hbm>>
        tpu.wait_dma2 semaphore(%run_scoped3A : memref<!tpu.dma_semaphore, #tpu.memory_space<semaphore_mem>>) src(%arg13 : memref<160x128xf32, #tpu.memory_space<vmem>>) dst(%dma_wait3A_143 : memref<160x128xf32, #tpu.memory_space<hbm>>)
        tpu.yield
      }) : () -> ()
      %add3A_74 = arith.constant 2 : i32
      %add3A_75 = arith.addi %add3A_36, %add3A_74 : i32
      %lt3A = arith.constant 20 : i32
      %lt3A_76 = arith.cmpi slt, %add3A_75, %lt3A : i32
      %convert_element_type3A_77 = arith.extui %lt3A_76 : i1 to i32
      %cond3A_78 = arith.constant 0 : i32
      %cond3A_79 = arith.cmpi ne, %convert_element_type3A_77, %cond3A_78 : i32
      scf.if %cond3A_79 {
        %add3A_136 = arith.constant 2 : i32
        %add3A_137 = arith.addi %add3A_36, %add3A_136 : i32
        %mul3A_138 = arith.constant 320 : i32
        %mul3A_139 = arith.muli %add3A_137, %mul3A_138 : i32
        %dma_start3A_140 = tpu.memref_slice %arg7[%mul3A_139] : memref<6400xi32, #tpu.memory_space<vmem>> -> memref<320xi32, #tpu.memory_space<vmem>>
        %dma_start3A_141 = arith.constant 0 : i32
        %dma_start3A_142 = arith.constant 0 : i32
        %dma_start3A_143 = tpu.memref_slice %arg5[%dma_start3A_141, %dma_start3A_142] : memref<100000x64xf32, #tpu.memory_space<hbm>> -> memref<100000x64xf32, #tpu.memory_space<hbm>>
        tpu.enqueue_indirect_dma source(%dma_start3A_143 : memref<100000x64xf32, #tpu.memory_space<hbm>>) target(%arg9 : memref<320x64xf32, #tpu.memory_space<vmem>>) offsets(%dma_start3A_140 : memref<320xi32, #tpu.memory_space<vmem>>) semaphore(%arg16 : memref<!tpu.dma_semaphore, #tpu.memory_space<semaphore_mem>>)
        %dma_start3A_144 = tpu.memref_slice %arg8[%mul3A_139] : memref<6400xi32, #tpu.memory_space<vmem>> -> memref<320xi32, #tpu.memory_space<vmem>>
        %dma_start3A_145 = arith.constant 0 : i32
        %dma_start3A_146 = arith.constant 0 : i32
        %dma_start3A_147 = tpu.memref_slice %arg14[%dma_start3A_145, %dma_start3A_146] : memref<2049x64xf32, #tpu.memory_space<vmem_shared>> -> memref<2049x64xf32, #tpu.memory_space<vmem_shared>>
        tpu.enqueue_indirect_dma source(%dma_start3A_147 : memref<2049x64xf32, #tpu.memory_space<vmem_shared>>) target(%arg11 : memref<320x64xf32, #tpu.memory_space<vmem>>) offsets(%dma_start3A_144 : memref<320xi32, #tpu.memory_space<vmem>>) semaphore(%arg18 : memref<!tpu.dma_semaphore, #tpu.memory_space<semaphore_mem>>)
      } else {
      }
      %mul3A_80 = arith.constant 2 : i32
      %mul3A_81 = arith.muli %scan3A_32, %mul3A_80 : i32
      %add3A_82 = arith.constant 1 : i32
      %add3A_83 = arith.addi %mul3A_81, %add3A_82 : i32
      %dma_wait3A_84 = arith.constant 0 : i32
      %dma_wait3A_85 = arith.constant 0 : i32
      %dma_wait3A_86 = tpu.memref_slice %arg5[%dma_wait3A_84, %dma_wait3A_85] : memref<100000x64xf32, #tpu.memory_space<hbm>> -> memref<320x64xf32, #tpu.memory_space<hbm>>
      %dma_wait3A_87 = arith.constant 0 : i32
      %dma_wait3A_88 = arith.constant 0 : i32
      %dma_wait3A_89 = tpu.memref_slice %arg5[%dma_wait3A_87, %dma_wait3A_88] : memref<100000x64xf32, #tpu.memory_space<hbm>> -> memref<320x64xf32, #tpu.memory_space<hbm>>
      tpu.wait_dma2 semaphore(%arg17 : memref<!tpu.dma_semaphore, #tpu.memory_space<semaphore_mem>>) src(%dma_wait3A_89 : memref<320x64xf32, #tpu.memory_space<hbm>>) dst(%arg10 : memref<320x64xf32, #tpu.memory_space<vmem>>)
      %dma_wait3A_90 = arith.constant 0 : i32
      %dma_wait3A_91 = arith.constant 0 : i32
      %dma_wait3A_92 = tpu.memref_slice %arg14[%dma_wait3A_90, %dma_wait3A_91] : memref<2049x64xf32, #tpu.memory_space<vmem_shared>> -> memref<320x64xf32, #tpu.memory_space<vmem_shared>>
      %dma_wait3A_93 = arith.constant 0 : i32
      %dma_wait3A_94 = arith.constant 0 : i32
      %dma_wait3A_95 = tpu.memref_slice %arg14[%dma_wait3A_93, %dma_wait3A_94] : memref<2049x64xf32, #tpu.memory_space<vmem_shared>> -> memref<320x64xf32, #tpu.memory_space<vmem_shared>>
      tpu.wait_dma2 semaphore(%arg19 : memref<!tpu.dma_semaphore, #tpu.memory_space<semaphore_mem>>) src(%dma_wait3A_95 : memref<320x64xf32, #tpu.memory_space<vmem_shared>>) dst(%arg12 : memref<320x64xf32, #tpu.memory_space<vmem>>)
      %scan3A_96 = arith.constant 0 : i32
      %scan3A_97 = arith.constant 0 : i32
      %scan3A_98 = arith.constant 160 : i32
      %scan3A_99 = arith.addi %scan3A_97, %scan3A_98 : i32
      %scan3A_100 = arith.constant 1 : i32
      scf.for %scan3A_136 = %scan3A_97 to %scan3A_99 step %scan3A_100  : i32 {
        %mul3A_137 = arith.constant 2 : i32
        %mul3A_138 = arith.muli %mul3A_137, %scan3A_136 : i32
        %add3A_139 = arith.constant 0 : i32
        %add3A_140 = arith.addi %mul3A_138, %add3A_139 : i32
        %get3A = arith.index_cast %add3A_140 : i32 to index
        %get3A_141 = arith.constant 0 : index
        %get3A_142 = tpu.vector_load %arg10[%get3A, %get3A_141] {strides = array<i32>} : memref<320x64xf32, #tpu.memory_space<vmem>>, vector<1x16xf32>,
        %get3A_143 = vector.shape_cast %get3A_142 : vector<1x16xf32> to vector<16xf32>
        %mul3A_144 = arith.constant 2 : i32
        %mul3A_145 = arith.muli %mul3A_144, %scan3A_136 : i32
        %add3A_146 = arith.constant 0 : i32
        %add3A_147 = arith.addi %mul3A_145, %add3A_146 : i32
        %get3A_148 = arith.index_cast %add3A_147 : i32 to index
        %get3A_149 = arith.constant 0 : index
        %get3A_150 = tpu.vector_load %arg12[%get3A_148, %get3A_149] {strides = array<i32>} : memref<320x64xf32, #tpu.memory_space<vmem>>, vector<1x16xf32>,
        %get3A_151 = vector.shape_cast %get3A_150 : vector<1x16xf32> to vector<16xf32>
        %add3A_152 = arith.addf %get3A_143, %get3A_151 : vector<16xf32>
        %swap3A = arith.index_cast %scan3A_136 : i32 to index
        %swap3A_153 = arith.constant 0 : index
        %swap3A_154 = tpu.vector_load %arg13[%swap3A, %swap3A_153] {strides = array<i32>} : memref<160x128xf32, #tpu.memory_space<vmem>>, vector<1x16xf32>,
        %swap3A_155 = vector.shape_cast %swap3A_154 : vector<1x16xf32> to vector<16xf32>
        %swap3A_156 = vector.shape_cast %add3A_152 : vector<16xf32> to vector<1x16xf32>
        tpu.vector_store %arg13[%swap3A, %swap3A_153], %swap3A_156 {strides = array<i32>} : memref<160x128xf32, #tpu.memory_space<vmem>>, vector<1x16xf32>,
        %mul3A_157 = arith.constant 2 : i32
        %mul3A_158 = arith.muli %mul3A_157, %scan3A_136 : i32
        %add3A_159 = arith.constant 0 : i32
        %add3A_160 = arith.addi %mul3A_158, %add3A_159 : i32
        %get3A_161 = arith.index_cast %add3A_160 : i32 to index
        %get3A_162 = arith.constant 16 : index
        %get3A_163 = tpu.vector_load %arg10[%get3A_161, %get3A_162] {strides = array<i32>} : memref<320x64xf32, #tpu.memory_space<vmem>>, vector<1x16xf32>,
        %get3A_164 = vector.shape_cast %get3A_163 : vector<1x16xf32> to vector<16xf32>
        %mul3A_165 = arith.constant 2 : i32
        %mul3A_166 = arith.muli %mul3A_165, %scan3A_136 : i32
        %add3A_167 = arith.constant 0 : i32
        %add3A_168 = arith.addi %mul3A_166, %add3A_167 : i32
        %get3A_169 = arith.index_cast %add3A_168 : i32 to index
        %get3A_170 = arith.constant 16 : index
        %get3A_171 = tpu.vector_load %arg12[%get3A_169, %get3A_170] {strides = array<i32>} : memref<320x64xf32, #tpu.memory_space<vmem>>, vector<1x16xf32>,
        %get3A_172 = vector.shape_cast %get3A_171 : vector<1x16xf32> to vector<16xf32>
        %add3A_173 = arith.addf %get3A_164, %get3A_172 : vector<16xf32>
        %swap3A_174 = arith.index_cast %scan3A_136 : i32 to index
        %swap3A_175 = arith.constant 16 : index
        %swap3A_176 = tpu.vector_load %arg13[%swap3A_174, %swap3A_175] {strides = array<i32>} : memref<160x128xf32, #tpu.memory_space<vmem>>, vector<1x16xf32>,
        %swap3A_177 = vector.shape_cast %swap3A_176 : vector<1x16xf32> to vector<16xf32>
        %swap3A_178 = vector.shape_cast %add3A_173 : vector<16xf32> to vector<1x16xf32>
        tpu.vector_store %arg13[%swap3A_174, %swap3A_175], %swap3A_178 {strides = array<i32>} : memref<160x128xf32, #tpu.memory_space<vmem>>, vector<1x16xf32>,
        %mul3A_179 = arith.constant 2 : i32
        %mul3A_180 = arith.muli %mul3A_179, %scan3A_136 : i32
        %add3A_181 = arith.constant 0 : i32
        %add3A_182 = arith.addi %mul3A_180, %add3A_181 : i32
        %get3A_183 = arith.index_cast %add3A_182 : i32 to index
        %get3A_184 = arith.constant 32 : index
        %get3A_185 = tpu.vector_load %arg10[%get3A_183, %get3A_184] {strides = array<i32>} : memref<320x64xf32, #tpu.memory_space<vmem>>, vector<1x16xf32>,
        %get3A_186 = vector.shape_cast %get3A_185 : vector<1x16xf32> to vector<16xf32>
        %mul3A_187 = arith.constant 2 : i32
        %mul3A_188 = arith.muli %mul3A_187, %scan3A_136 : i32
        %add3A_189 = arith.constant 0 : i32
        %add3A_190 = arith.addi %mul3A_188, %add3A_189 : i32
        %get3A_191 = arith.index_cast %add3A_190 : i32 to index
        %get3A_192 = arith.constant 32 : index
        %get3A_193 = tpu.vector_load %arg12[%get3A_191, %get3A_192] {strides = array<i32>} : memref<320x64xf32, #tpu.memory_space<vmem>>, vector<1x16xf32>,
        %get3A_194 = vector.shape_cast %get3A_193 : vector<1x16xf32> to vector<16xf32>
        %add3A_195 = arith.addf %get3A_186, %get3A_194 : vector<16xf32>
        %swap3A_196 = arith.index_cast %scan3A_136 : i32 to index
        %swap3A_197 = arith.constant 32 : index
        %swap3A_198 = tpu.vector_load %arg13[%swap3A_196, %swap3A_197] {strides = array<i32>} : memref<160x128xf32, #tpu.memory_space<vmem>>, vector<1x16xf32>,
        %swap3A_199 = vector.shape_cast %swap3A_198 : vector<1x16xf32> to vector<16xf32>
        %swap3A_200 = vector.shape_cast %add3A_195 : vector<16xf32> to vector<1x16xf32>
        tpu.vector_store %arg13[%swap3A_196, %swap3A_197], %swap3A_200 {strides = array<i32>} : memref<160x128xf32, #tpu.memory_space<vmem>>, vector<1x16xf32>,
        %mul3A_201 = arith.constant 2 : i32
        %mul3A_202 = arith.muli %mul3A_201, %scan3A_136 : i32
        %add3A_203 = arith.constant 0 : i32
        %add3A_204 = arith.addi %mul3A_202, %add3A_203 : i32
        %get3A_205 = arith.index_cast %add3A_204 : i32 to index
        %get3A_206 = arith.constant 48 : index
        %get3A_207 = tpu.vector_load %arg10[%get3A_205, %get3A_206] {strides = array<i32>} : memref<320x64xf32, #tpu.memory_space<vmem>>, vector<1x16xf32>,
        %get3A_208 = vector.shape_cast %get3A_207 : vector<1x16xf32> to vector<16xf32>
        %mul3A_209 = arith.constant 2 : i32
        %mul3A_210 = arith.muli %mul3A_209, %scan3A_136 : i32
        %add3A_211 = arith.constant 0 : i32
        %add3A_212 = arith.addi %mul3A_210, %add3A_211 : i32
        %get3A_213 = arith.index_cast %add3A_212 : i32 to index
        %get3A_214 = arith.constant 48 : index
        %get3A_215 = tpu.vector_load %arg12[%get3A_213, %get3A_214] {strides = array<i32>} : memref<320x64xf32, #tpu.memory_space<vmem>>, vector<1x16xf32>,
        %get3A_216 = vector.shape_cast %get3A_215 : vector<1x16xf32> to vector<16xf32>
        %add3A_217 = arith.addf %get3A_208, %get3A_216 : vector<16xf32>
        %swap3A_218 = arith.index_cast %scan3A_136 : i32 to index
        %swap3A_219 = arith.constant 48 : index
        %swap3A_220 = tpu.vector_load %arg13[%swap3A_218, %swap3A_219] {strides = array<i32>} : memref<160x128xf32, #tpu.memory_space<vmem>>, vector<1x16xf32>,
        %swap3A_221 = vector.shape_cast %swap3A_220 : vector<1x16xf32> to vector<16xf32>
        %swap3A_222 = vector.shape_cast %add3A_217 : vector<16xf32> to vector<1x16xf32>
        tpu.vector_store %arg13[%swap3A_218, %swap3A_219], %swap3A_222 {strides = array<i32>} : memref<160x128xf32, #tpu.memory_space<vmem>>, vector<1x16xf32>,
        %mul3A_223 = arith.constant 2 : i32
        %mul3A_224 = arith.muli %mul3A_223, %scan3A_136 : i32
        %add3A_225 = arith.constant 1 : i32
        %add3A_226 = arith.addi %mul3A_224, %add3A_225 : i32
        %get3A_227 = arith.index_cast %add3A_226 : i32 to index
        %get3A_228 = arith.constant 0 : index
        %get3A_229 = tpu.vector_load %arg10[%get3A_227, %get3A_228] {strides = array<i32>} : memref<320x64xf32, #tpu.memory_space<vmem>>, vector<1x16xf32>,
        %get3A_230 = vector.shape_cast %get3A_229 : vector<1x16xf32> to vector<16xf32>
        %mul3A_231 = arith.constant 2 : i32
        %mul3A_232 = arith.muli %mul3A_231, %scan3A_136 : i32
        %add3A_233 = arith.constant 1 : i32
        %add3A_234 = arith.addi %mul3A_232, %add3A_233 : i32
        %get3A_235 = arith.index_cast %add3A_234 : i32 to index
        %get3A_236 = arith.constant 0 : index
        %get3A_237 = tpu.vector_load %arg12[%get3A_235, %get3A_236] {strides = array<i32>} : memref<320x64xf32, #tpu.memory_space<vmem>>, vector<1x16xf32>,
        %get3A_238 = vector.shape_cast %get3A_237 : vector<1x16xf32> to vector<16xf32>
        %add3A_239 = arith.addf %get3A_230, %get3A_238 : vector<16xf32>
        %swap3A_240 = arith.index_cast %scan3A_136 : i32 to index
        %swap3A_241 = arith.constant 64 : index
        %swap3A_242 = tpu.vector_load %arg13[%swap3A_240, %swap3A_241] {strides = array<i32>} : memref<160x128xf32, #tpu.memory_space<vmem>>, vector<1x16xf32>,
        %swap3A_243 = vector.shape_cast %swap3A_242 : vector<1x16xf32> to vector<16xf32>
        %swap3A_244 = vector.shape_cast %add3A_239 : vector<16xf32> to vector<1x16xf32>
        tpu.vector_store %arg13[%swap3A_240, %swap3A_241], %swap3A_244 {strides = array<i32>} : memref<160x128xf32, #tpu.memory_space<vmem>>, vector<1x16xf32>,
        %mul3A_245 = arith.constant 2 : i32
        %mul3A_246 = arith.muli %mul3A_245, %scan3A_136 : i32
        %add3A_247 = arith.constant 1 : i32
        %add3A_248 = arith.addi %mul3A_246, %add3A_247 : i32
        %get3A_249 = arith.index_cast %add3A_248 : i32 to index
        %get3A_250 = arith.constant 16 : index
        %get3A_251 = tpu.vector_load %arg10[%get3A_249, %get3A_250] {strides = array<i32>} : memref<320x64xf32, #tpu.memory_space<vmem>>, vector<1x16xf32>,
        %get3A_252 = vector.shape_cast %get3A_251 : vector<1x16xf32> to vector<16xf32>
        %mul3A_253 = arith.constant 2 : i32
        %mul3A_254 = arith.muli %mul3A_253, %scan3A_136 : i32
        %add3A_255 = arith.constant 1 : i32
        %add3A_256 = arith.addi %mul3A_254, %add3A_255 : i32
        %get3A_257 = arith.index_cast %add3A_256 : i32 to index
        %get3A_258 = arith.constant 16 : index
        %get3A_259 = tpu.vector_load %arg12[%get3A_257, %get3A_258] {strides = array<i32>} : memref<320x64xf32, #tpu.memory_space<vmem>>, vector<1x16xf32>,
        %get3A_260 = vector.shape_cast %get3A_259 : vector<1x16xf32> to vector<16xf32>
        %add3A_261 = arith.addf %get3A_252, %get3A_260 : vector<16xf32>
        %swap3A_262 = arith.index_cast %scan3A_136 : i32 to index
        %swap3A_263 = arith.constant 80 : index
        %swap3A_264 = tpu.vector_load %arg13[%swap3A_262, %swap3A_263] {strides = array<i32>} : memref<160x128xf32, #tpu.memory_space<vmem>>, vector<1x16xf32>,
        %swap3A_265 = vector.shape_cast %swap3A_264 : vector<1x16xf32> to vector<16xf32>
        %swap3A_266 = vector.shape_cast %add3A_261 : vector<16xf32> to vector<1x16xf32>
        tpu.vector_store %arg13[%swap3A_262, %swap3A_263], %swap3A_266 {strides = array<i32>} : memref<160x128xf32, #tpu.memory_space<vmem>>, vector<1x16xf32>,
        %mul3A_267 = arith.constant 2 : i32
        %mul3A_268 = arith.muli %mul3A_267, %scan3A_136 : i32
        %add3A_269 = arith.constant 1 : i32
        %add3A_270 = arith.addi %mul3A_268, %add3A_269 : i32
        %get3A_271 = arith.index_cast %add3A_270 : i32 to index
        %get3A_272 = arith.constant 32 : index
        %get3A_273 = tpu.vector_load %arg10[%get3A_271, %get3A_272] {strides = array<i32>} : memref<320x64xf32, #tpu.memory_space<vmem>>, vector<1x16xf32>,
        %get3A_274 = vector.shape_cast %get3A_273 : vector<1x16xf32> to vector<16xf32>
        %mul3A_275 = arith.constant 2 : i32
        %mul3A_276 = arith.muli %mul3A_275, %scan3A_136 : i32
        %add3A_277 = arith.constant 1 : i32
        %add3A_278 = arith.addi %mul3A_276, %add3A_277 : i32
        %get3A_279 = arith.index_cast %add3A_278 : i32 to index
        %get3A_280 = arith.constant 32 : index
        %get3A_281 = tpu.vector_load %arg12[%get3A_279, %get3A_280] {strides = array<i32>} : memref<320x64xf32, #tpu.memory_space<vmem>>, vector<1x16xf32>,
        %get3A_282 = vector.shape_cast %get3A_281 : vector<1x16xf32> to vector<16xf32>
        %add3A_283 = arith.addf %get3A_274, %get3A_282 : vector<16xf32>
        %swap3A_284 = arith.index_cast %scan3A_136 : i32 to index
        %swap3A_285 = arith.constant 96 : index
        %swap3A_286 = tpu.vector_load %arg13[%swap3A_284, %swap3A_285] {strides = array<i32>} : memref<160x128xf32, #tpu.memory_space<vmem>>, vector<1x16xf32>,
        %swap3A_287 = vector.shape_cast %swap3A_286 : vector<1x16xf32> to vector<16xf32>
        %swap3A_288 = vector.shape_cast %add3A_283 : vector<16xf32> to vector<1x16xf32>
        tpu.vector_store %arg13[%swap3A_284, %swap3A_285], %swap3A_288 {strides = array<i32>} : memref<160x128xf32, #tpu.memory_space<vmem>>, vector<1x16xf32>,
        %mul3A_289 = arith.constant 2 : i32
        %mul3A_290 = arith.muli %mul3A_289, %scan3A_136 : i32
        %add3A_291 = arith.constant 1 : i32
        %add3A_292 = arith.addi %mul3A_290, %add3A_291 : i32
        %get3A_293 = arith.index_cast %add3A_292 : i32 to index
        %get3A_294 = arith.constant 48 : index
        %get3A_295 = tpu.vector_load %arg10[%get3A_293, %get3A_294] {strides = array<i32>} : memref<320x64xf32, #tpu.memory_space<vmem>>, vector<1x16xf32>,
        %get3A_296 = vector.shape_cast %get3A_295 : vector<1x16xf32> to vector<16xf32>
        %mul3A_297 = arith.constant 2 : i32
        %mul3A_298 = arith.muli %mul3A_297, %scan3A_136 : i32
        %add3A_299 = arith.constant 1 : i32
        %add3A_300 = arith.addi %mul3A_298, %add3A_299 : i32
        %get3A_301 = arith.index_cast %add3A_300 : i32 to index
        %get3A_302 = arith.constant 48 : index
        %get3A_303 = tpu.vector_load %arg12[%get3A_301, %get3A_302] {strides = array<i32>} : memref<320x64xf32, #tpu.memory_space<vmem>>, vector<1x16xf32>,
        %get3A_304 = vector.shape_cast %get3A_303 : vector<1x16xf32> to vector<16xf32>
        %add3A_305 = arith.addf %get3A_296, %get3A_304 : vector<16xf32>
        %swap3A_306 = arith.index_cast %scan3A_136 : i32 to index
        %swap3A_307 = arith.constant 112 : index
        %swap3A_308 = tpu.vector_load %arg13[%swap3A_306, %swap3A_307] {strides = array<i32>} : memref<160x128xf32, #tpu.memory_space<vmem>>, vector<1x16xf32>,
        %swap3A_309 = vector.shape_cast %swap3A_308 : vector<1x16xf32> to vector<16xf32>
        %swap3A_310 = vector.shape_cast %add3A_305 : vector<16xf32> to vector<1x16xf32>
        tpu.vector_store %arg13[%swap3A_306, %swap3A_307], %swap3A_310 {strides = array<i32>} : memref<160x128xf32, #tpu.memory_space<vmem>>, vector<1x16xf32>,
      }
      %scan3A_101 = arith.constant 160 : i32
      %mul3A_102 = arith.constant 320 : i32
      %mul3A_103 = arith.muli %add3A_83, %mul3A_102 : i32
      %add3A_104 = arith.addi %mul3A_2, %mul3A_103 : i32
      %jit3A_105 = arith.constant 2 : i32
      %div3A_106 = arith.divsi %add3A_104, %jit3A_105 : i32
      %sign3A_107 = arith.constant 0 : i32
      %sign3A_108 = arith.cmpi sgt, %add3A_104, %sign3A_107 : i32
      %sign3A_109 = arith.extui %sign3A_108 : i1 to i32
      %sign3A_110 = arith.constant 0 : i32
      %sign3A_111 = arith.cmpi slt, %add3A_104, %sign3A_110 : i32
      %sign3A_112 = arith.extui %sign3A_111 : i1 to i32
      %sign3A_113 = arith.subi %sign3A_109, %sign3A_112 : i32
      %sign3A_114 = arith.constant 0 : i32
      %sign3A_115 = arith.cmpi sgt, %jit3A_105, %sign3A_114 : i32
      %sign3A_116 = arith.extui %sign3A_115 : i1 to i32
      %sign3A_117 = arith.constant 0 : i32
      %sign3A_118 = arith.cmpi slt, %jit3A_105, %sign3A_117 : i32
      %sign3A_119 = arith.extui %sign3A_118 : i1 to i32
      %sign3A_120 = arith.subi %sign3A_116, %sign3A_119 : i32
      %ne3A_121 = arith.cmpi ne, %sign3A_113, %sign3A_120 : i32
      %rem3A_122 = arith.remsi %add3A_104, %jit3A_105 : i32
      %ne3A_123 = arith.constant 0 : i32
      %ne3A_124 = arith.cmpi ne, %rem3A_122, %ne3A_123 : i32
      %and3A_125 = arith.andi %ne3A_121, %ne3A_124 : i1
      %sub3A_126 = arith.constant 1 : i32
      %sub3A_127 = arith.subi %div3A_106, %sub3A_126 : i32
      %select_n3A_128 = arith.select %and3A_125, %sub3A_127, %div3A_106 : i32
      "tpu.region"() ({
        %run_scoped3A = tpu.sem_alloc : memref<!tpu.dma_semaphore, #tpu.memory_space<semaphore_mem>>
        %dma_start3A_136 = arith.constant 0 : i32
        %dma_start3A_137 = tpu.memref_slice %arg6[%select_n3A_128, %dma_start3A_136] : memref<102400x128xf32, #tpu.memory_space<hbm>> -> memref<160x128xf32, #tpu.memory_space<hbm>>
        %dma_start3A_138 = arith.constant 0 : i32
        %dma_start3A_139 = tpu.memref_slice %arg6[%select_n3A_128, %dma_start3A_138] : memref<102400x128xf32, #tpu.memory_space<hbm>> -> memref<160x128xf32, #tpu.memory_space<hbm>>
        tpu.enqueue_dma source(%arg13 : memref<160x128xf32, #tpu.memory_space<vmem>>) target(%dma_start3A_139 : memref<160x128xf32, #tpu.memory_space<hbm>>) target_semaphore(%run_scoped3A : memref<!tpu.dma_semaphore, #tpu.memory_space<semaphore_mem>>)
        %dma_wait3A_140 = arith.constant 0 : i32
        %dma_wait3A_141 = tpu.memref_slice %arg6[%select_n3A_128, %dma_wait3A_140] : memref<102400x128xf32, #tpu.memory_space<hbm>> -> memref<160x128xf32, #tpu.memory_space<hbm>>
        %dma_wait3A_142 = arith.constant 0 : i32
        %dma_wait3A_143 = tpu.memref_slice %arg6[%select_n3A_128, %dma_wait3A_142] : memref<102400x128xf32, #tpu.memory_space<hbm>> -> memref<160x128xf32, #tpu.memory_space<hbm>>
        tpu.wait_dma2 semaphore(%run_scoped3A : memref<!tpu.dma_semaphore, #tpu.memory_space<semaphore_mem>>) src(%arg13 : memref<160x128xf32, #tpu.memory_space<vmem>>) dst(%dma_wait3A_143 : memref<160x128xf32, #tpu.memory_space<hbm>>)
        tpu.yield
      }) : () -> ()
      %add3A_129 = arith.constant 2 : i32
      %add3A_130 = arith.addi %add3A_83, %add3A_129 : i32
      %lt3A_131 = arith.constant 20 : i32
      %lt3A_132 = arith.cmpi slt, %add3A_130, %lt3A_131 : i32
      %convert_element_type3A_133 = arith.extui %lt3A_132 : i1 to i32
      %cond3A_134 = arith.constant 0 : i32
      %cond3A_135 = arith.cmpi ne, %convert_element_type3A_133, %cond3A_134 : i32
      scf.if %cond3A_135 {
        %add3A_136 = arith.constant 2 : i32
        %add3A_137 = arith.addi %add3A_83, %add3A_136 : i32
        %mul3A_138 = arith.constant 320 : i32
        %mul3A_139 = arith.muli %add3A_137, %mul3A_138 : i32
        %dma_start3A_140 = tpu.memref_slice %arg7[%mul3A_139] : memref<6400xi32, #tpu.memory_space<vmem>> -> memref<320xi32, #tpu.memory_space<vmem>>
        %dma_start3A_141 = arith.constant 0 : i32
        %dma_start3A_142 = arith.constant 0 : i32
        %dma_start3A_143 = tpu.memref_slice %arg5[%dma_start3A_141, %dma_start3A_142] : memref<100000x64xf32, #tpu.memory_space<hbm>> -> memref<100000x64xf32, #tpu.memory_space<hbm>>
        tpu.enqueue_indirect_dma source(%dma_start3A_143 : memref<100000x64xf32, #tpu.memory_space<hbm>>) target(%arg10 : memref<320x64xf32, #tpu.memory_space<vmem>>) offsets(%dma_start3A_140 : memref<320xi32, #tpu.memory_space<vmem>>) semaphore(%arg17 : memref<!tpu.dma_semaphore, #tpu.memory_space<semaphore_mem>>)
        %dma_start3A_144 = tpu.memref_slice %arg8[%mul3A_139] : memref<6400xi32, #tpu.memory_space<vmem>> -> memref<320xi32, #tpu.memory_space<vmem>>
        %dma_start3A_145 = arith.constant 0 : i32
        %dma_start3A_146 = arith.constant 0 : i32
        %dma_start3A_147 = tpu.memref_slice %arg14[%dma_start3A_145, %dma_start3A_146] : memref<2049x64xf32, #tpu.memory_space<vmem_shared>> -> memref<2049x64xf32, #tpu.memory_space<vmem_shared>>
        tpu.enqueue_indirect_dma source(%dma_start3A_147 : memref<2049x64xf32, #tpu.memory_space<vmem_shared>>) target(%arg12 : memref<320x64xf32, #tpu.memory_space<vmem>>) offsets(%dma_start3A_144 : memref<320xi32, #tpu.memory_space<vmem>>) semaphore(%arg19 : memref<!tpu.dma_semaphore, #tpu.memory_space<semaphore_mem>>)
      } else {
      }
    }
    %scan3A_31 = arith.constant 10 : i32
    return
  }
}

#map = affine_map<(d0, d1) -> (0)>
#map1 = affine_map<(d0, d1) -> (0, 0)>
module attributes {stable_mosaic.version = 14 : i64} {
  func.func @_gather_lh_body(%arg0: i32, %arg1: i32, %arg2: memref<10240xi32, #tpu.memory_space<hbm>>, %arg3: memref<100000x64xf32, #tpu.memory_space<hbm>>, %arg4: memref<10240x64xf32, #tpu.memory_space<hbm>>, %arg5: memref<320xi32, #tpu.memory_space<vmem>>, %arg6: memref<320x64xf32, #tpu.memory_space<vmem>>, %arg7: memref<!tpu.dma_semaphore, #tpu.memory_space<semaphore_mem>>) attributes {dimension_semantics = [#tpu.dimension_semantics<core_parallel>, #tpu.dimension_semantics<subcore_parallel>], iteration_bounds = array<i64: 2, 16>, scalar_prefetch = 0 : i64, scratch_operands = 3 : i64, tpu.core_type = #tpu.core_type<sc_vector_subcore>, window_params = [{transform_indices = #map}, {transform_indices = #map1}, {transform_indices = #map1}]} {
    %mul3A = arith.constant 2 : i32
    %mul3A_0 = arith.muli %arg1, %mul3A : i32
    %add3A = arith.addi %mul3A_0, %arg0 : i32
    %mul3A_1 = arith.constant 320 : i32
    %mul3A_2 = arith.muli %add3A, %mul3A_1 : i32
    "tpu.region"() ({
      %run_scoped3A = tpu.sem_alloc : memref<!tpu.dma_semaphore, #tpu.memory_space<semaphore_mem>>
      %dma_start3A_7 = tpu.memref_slice %arg2[%mul3A_2] : memref<10240xi32, #tpu.memory_space<hbm>> -> memref<320xi32, #tpu.memory_space<hbm>>
      %dma_start3A_8 = tpu.memref_slice %arg2[%mul3A_2] : memref<10240xi32, #tpu.memory_space<hbm>> -> memref<320xi32, #tpu.memory_space<hbm>>
      tpu.enqueue_dma source(%dma_start3A_8 : memref<320xi32, #tpu.memory_space<hbm>>) target(%arg5 : memref<320xi32, #tpu.memory_space<vmem>>) target_semaphore(%run_scoped3A : memref<!tpu.dma_semaphore, #tpu.memory_space<semaphore_mem>>)
      %dma_wait3A_9 = tpu.memref_slice %arg2[%mul3A_2] : memref<10240xi32, #tpu.memory_space<hbm>> -> memref<320xi32, #tpu.memory_space<hbm>>
      %dma_wait3A_10 = tpu.memref_slice %arg2[%mul3A_2] : memref<10240xi32, #tpu.memory_space<hbm>> -> memref<320xi32, #tpu.memory_space<hbm>>
      tpu.wait_dma2 semaphore(%run_scoped3A : memref<!tpu.dma_semaphore, #tpu.memory_space<semaphore_mem>>) src(%dma_wait3A_10 : memref<320xi32, #tpu.memory_space<hbm>>) dst(%arg5 : memref<320xi32, #tpu.memory_space<vmem>>)
      tpu.yield
    }) : () -> ()
    %dma_start3A = arith.constant 0 : i32
    %dma_start3A_3 = arith.constant 0 : i32
    %dma_start3A_4 = tpu.memref_slice %arg3[%dma_start3A, %dma_start3A_3] : memref<100000x64xf32, #tpu.memory_space<hbm>> -> memref<100000x64xf32, #tpu.memory_space<hbm>>
    tpu.enqueue_indirect_dma source(%dma_start3A_4 : memref<100000x64xf32, #tpu.memory_space<hbm>>) target(%arg6 : memref<320x64xf32, #tpu.memory_space<vmem>>) offsets(%arg5 : memref<320xi32, #tpu.memory_space<vmem>>) semaphore(%arg7 : memref<!tpu.dma_semaphore, #tpu.memory_space<semaphore_mem>>)
    %dma_wait3A = arith.constant 0 : i32
    %dma_wait3A_5 = arith.constant 0 : i32
    %dma_wait3A_6 = tpu.memref_slice %arg3[%dma_wait3A, %dma_wait3A_5] : memref<100000x64xf32, #tpu.memory_space<hbm>> -> memref<100000x64xf32, #tpu.memory_space<hbm>>
    tpu.wait_indirect_dma semaphore(%arg7 : memref<!tpu.dma_semaphore, #tpu.memory_space<semaphore_mem>>) src(%dma_wait3A_6 : memref<100000x64xf32, #tpu.memory_space<hbm>>) dst(%arg6 : memref<320x64xf32, #tpu.memory_space<vmem>>)
    "tpu.region"() ({
      %run_scoped3A = tpu.sem_alloc : memref<!tpu.dma_semaphore, #tpu.memory_space<semaphore_mem>>
      %dma_start3A_7 = arith.constant 0 : i32
      %dma_start3A_8 = tpu.memref_slice %arg4[%mul3A_2, %dma_start3A_7] : memref<10240x64xf32, #tpu.memory_space<hbm>> -> memref<320x64xf32, #tpu.memory_space<hbm>>
      %dma_start3A_9 = arith.constant 0 : i32
      %dma_start3A_10 = tpu.memref_slice %arg4[%mul3A_2, %dma_start3A_9] : memref<10240x64xf32, #tpu.memory_space<hbm>> -> memref<320x64xf32, #tpu.memory_space<hbm>>
      tpu.enqueue_dma source(%arg6 : memref<320x64xf32, #tpu.memory_space<vmem>>) target(%dma_start3A_10 : memref<320x64xf32, #tpu.memory_space<hbm>>) target_semaphore(%run_scoped3A : memref<!tpu.dma_semaphore, #tpu.memory_space<semaphore_mem>>)
      %dma_wait3A_11 = arith.constant 0 : i32
      %dma_wait3A_12 = tpu.memref_slice %arg4[%mul3A_2, %dma_wait3A_11] : memref<10240x64xf32, #tpu.memory_space<hbm>> -> memref<320x64xf32, #tpu.memory_space<hbm>>
      %dma_wait3A_13 = arith.constant 0 : i32
      %dma_wait3A_14 = tpu.memref_slice %arg4[%mul3A_2, %dma_wait3A_13] : memref<10240x64xf32, #tpu.memory_space<hbm>> -> memref<320x64xf32, #tpu.memory_space<hbm>>
      tpu.wait_dma2 semaphore(%run_scoped3A : memref<!tpu.dma_semaphore, #tpu.memory_space<semaphore_mem>>) src(%arg6 : memref<320x64xf32, #tpu.memory_space<vmem>>) dst(%dma_wait3A_14 : memref<320x64xf32, #tpu.memory_space<hbm>>)
      tpu.yield
    }) : () -> ()
    return
  }
}

module attributes {stable_mosaic.version = 14 : i64} {
  func.func @_noise_body(%arg0: i32, %arg1: memref<1024x72xf32, #tpu.memory_space<vmem>>, %arg2: memref<2048x64xf32, #tpu.memory_space<vmem>>, %arg3: memref<2048x64xf32, #tpu.memory_space<vmem>>, %arg4: memref<2048x72xf32, #tpu.memory_space<vmem>>) attributes {dimension_semantics = [#tpu.dimension_semantics<arbitrary>], iteration_bounds = array<i64: 8>, scalar_prefetch = 0 : i64, scratch_operands = 1 : i64, tpu.core_type = #tpu.core_type<tc>, window_params = [{transform_indices = @transform_0, window_bounds = array<i64: 1024, 72>}, {pipeline_mode = #tpu.pipeline_mode<synchronous>, transform_indices = @transform_1, window_bounds = array<i64: 2048, 64>}, {pipeline_mode = #tpu.pipeline_mode<synchronous>, transform_indices = @transform_2, window_bounds = array<i64: 2048, 64>}]} {
    %eq3A = arith.constant 0 : i32
    %eq3A_0 = arith.cmpi eq, %arg0, %eq3A : i32
    %convert_element_type3A = arith.extui %eq3A_0 : i1 to i32
    %cond3A = arith.constant 0 : i32
    %cond3A_1 = arith.cmpi ne, %convert_element_type3A, %cond3A : i32
    scf.if %cond3A_1 {
      %broadcast_in_dim3A_49 = arith.constant 0.000000e+00 : f32
      %broadcast_in_dim3A_50 = vector.broadcast %broadcast_in_dim3A_49 : f32 to vector<2048x72xf32>
      %swap3A_51 = arith.constant 0 : index
      %swap3A_52 = arith.constant 0 : index
      %swap3A_53 = vector.load %arg4[%swap3A_51, %swap3A_52] : memref<2048x72xf32, #tpu.memory_space<vmem>>, vector<2048x72xf32>
      tpu.vector_store %arg4[%swap3A_51, %swap3A_52], %broadcast_in_dim3A_50 {strides = array<i32>} : memref<2048x72xf32, #tpu.memory_space<vmem>>, vector<2048x72xf32>,
    } else {
    }
    %get3A = arith.constant 0 : index
    %get3A_2 = arith.constant 0 : index
    %get3A_3 = vector.load %arg1[%get3A, %get3A_2] : memref<1024x72xf32, #tpu.memory_space<vmem>>, vector<1024x72xf32>
    %slice3A = vector.extract_strided_slice %get3A_3 {offsets = [0, 0], sizes = [1024, 64], strides = [1, 1]} : vector<1024x72xf32> to vector<1024x64xf32>
    %get3A_4 = arith.constant 0 : index
    %get3A_5 = arith.constant 0 : index
    %get3A_6 = vector.load %arg2[%get3A_4, %get3A_5] : memref<2048x64xf32, #tpu.memory_space<vmem>>, vector<2048x64xf32>
    %mul3A = arith.mulf %slice3A, %slice3A : vector<1024x64xf32>
    %reduce_sum3A = arith.constant dense<0.000000e+00> : vector<1024xf32>
    %reduce_sum3A_7 = vector.multi_reduction <add>, %mul3A, %reduce_sum3A [1] : vector<1024x64xf32> to vector<1024xf32>
    %broadcast_in_dim3A = vector.shape_cast %reduce_sum3A_7 : vector<1024xf32> to vector<1024x1xf32>
    %sqrt3A = math.sqrt %broadcast_in_dim3A : vector<1024x1xf32>
    %div3A = arith.constant 1.000000e+00 : f32
    %div3A_8 = vector.broadcast %div3A : f32 to vector<1024x1xf32>
    %div3A_9 = arith.divf %div3A_8, %sqrt3A : vector<1024x1xf32>
    %mul3A_10 = arith.mulf %get3A_6, %get3A_6 : vector<2048x64xf32>
    %reduce_sum3A_11 = arith.constant dense<0.000000e+00> : vector<2048xf32>
    %reduce_sum3A_12 = vector.multi_reduction <add>, %mul3A_10, %reduce_sum3A_11 [1] : vector<2048x64xf32> to vector<2048xf32>
    %sqrt3A_13 = math.sqrt %reduce_sum3A_12 : vector<2048xf32>
    %div3A_14 = arith.constant 1.000000e+00 : f32
    %div3A_15 = vector.broadcast %div3A_14 : f32 to vector<2048xf32>
    %div3A_16 = arith.divf %div3A_15, %sqrt3A_13 : vector<2048xf32>
    %dot_general3A = arith.constant dense<0.000000e+00> : vector<1024x2048xf32>
    %dot_general3A_17 = tpu.matmul %slice3A, %get3A_6, %dot_general3A {dimension_numbers = #tpu.dot_dimension_numbers<[1], [1], [0], [0], [0, 0, 1, 0], [], []>, transpose_lhs_hint = false} : vector<1024x64xf32>, vector<2048x64xf32>, vector<1024x2048xf32> -> vector<1024x2048xf32>
    %mul3A_18 = vector.broadcast %div3A_9 : vector<1024x1xf32> to vector<1024x2048xf32>
    %mul3A_19 = arith.mulf %dot_general3A_17, %mul3A_18 : vector<1024x2048xf32>
    %broadcast_in_dim3A_20 = vector.shape_cast %div3A_16 : vector<2048xf32> to vector<1x2048xf32>
    %mul3A_21 = vector.broadcast %broadcast_in_dim3A_20 : vector<1x2048xf32> to vector<1024x2048xf32>
    %mul3A_22 = arith.mulf %mul3A_19, %mul3A_21 : vector<1024x2048xf32>
    %reduce_max3A = arith.constant dense<0xFF800000> : vector<1024xf32>
    %reduce_max3A_23 = vector.multi_reduction <maximumf>, %mul3A_22, %reduce_max3A [1] : vector<1024x2048xf32> to vector<1024xf32>
    %broadcast_in_dim3A_24 = vector.shape_cast %reduce_max3A_23 : vector<1024xf32> to vector<1024x1xf32>
    %iota3A = tpu.iota {dimensions = array<i32: 1>} : vector<1024x2048xi32>
    %eq3A_25 = vector.broadcast %broadcast_in_dim3A_24 : vector<1024x1xf32> to vector<1024x2048xf32>
    %eq3A_26 = arith.cmpf oeq, %mul3A_22, %eq3A_25 : vector<1024x2048xf32>
    %jit3A = arith.constant 2048 : i32
    %broadcast_in_dim3A_27 = vector.broadcast %jit3A : i32 to vector<1024x2048xi32>
    %select_n3A = arith.select %eq3A_26, %iota3A, %broadcast_in_dim3A_27 : vector<1024x2048xi1>, vector<1024x2048xi32>
    %reduce_min3A = arith.constant dense<2147483647> : vector<1024xi32>
    %reduce_min3A_28 = vector.multi_reduction <minsi>, %select_n3A, %reduce_min3A [1] : vector<1024x2048xi32> to vector<1024xi32>
    %broadcast_in_dim3A_29 = vector.shape_cast %reduce_min3A_28 : vector<1024xi32> to vector<1024x1xi32>
    %exp3A = math.exp %broadcast_in_dim3A_24 : vector<1024x1xf32>
    %eq3A_30 = vector.broadcast %broadcast_in_dim3A_29 : vector<1024x1xi32> to vector<1024x2048xi32>
    %eq3A_31 = arith.cmpi eq, %iota3A, %eq3A_30 : vector<1024x2048xi32>
    %jit3A_32 = arith.constant 0.000000e+00 : f32
    %broadcast_in_dim3A_33 = vector.shape_cast %exp3A : vector<1024x1xf32> to vector<1024x1xf32>
    %broadcast_in_dim3A_34 = vector.broadcast %broadcast_in_dim3A_33 : vector<1024x1xf32> to vector<1024x2048xf32>
    %broadcast_in_dim3A_35 = vector.broadcast %jit3A_32 : f32 to vector<1024x2048xf32>
    %select_n3A_36 = arith.select %eq3A_31, %broadcast_in_dim3A_34, %broadcast_in_dim3A_35 : vector<1024x2048xi1>, vector<1024x2048xf32>
    %get3A_37 = arith.constant 0 : index
    %get3A_38 = arith.constant 0 : index
    %get3A_39 = vector.load %arg4[%get3A_37, %get3A_38] : memref<2048x72xf32, #tpu.memory_space<vmem>>, vector<2048x72xf32>
    %dot_general3A_40 = arith.constant dense<0.000000e+00> : vector<2048x72xf32>
    %dot_general3A_41 = tpu.matmul %select_n3A_36, %get3A_3, %dot_general3A_40 {dimension_numbers = #tpu.dot_dimension_numbers<[0], [0], [1], [1], [0, 1, 1, 1], [], []>, transpose_lhs_hint = false} : vector<1024x2048xf32>, vector<1024x72xf32>, vector<2048x72xf32> -> vector<2048x72xf32>
    %add3A = arith.addf %get3A_39, %dot_general3A_41 : vector<2048x72xf32>
    %swap3A = arith.constant 0 : index
    %swap3A_42 = arith.constant 0 : index
    %swap3A_43 = vector.load %arg4[%swap3A, %swap3A_42] : memref<2048x72xf32, #tpu.memory_space<vmem>>, vector<2048x72xf32>
    tpu.vector_store %arg4[%swap3A, %swap3A_42], %add3A {strides = array<i32>} : memref<2048x72xf32, #tpu.memory_space<vmem>>, vector<2048x72xf32>,
    %eq3A_44 = arith.constant 7 : i32
    %eq3A_45 = arith.cmpi eq, %arg0, %eq3A_44 : i32
    %convert_element_type3A_46 = arith.extui %eq3A_45 : i1 to i32
    %cond3A_47 = arith.constant 0 : i32
    %cond3A_48 = arith.cmpi ne, %convert_element_type3A_46, %cond3A_47 : i32
    scf.if %cond3A_48 {
      %get3A_49 = arith.constant 0 : index
      %get3A_50 = arith.constant 0 : index
      %get3A_51 = vector.load %arg4[%get3A_49, %get3A_50] : memref<2048x72xf32, #tpu.memory_space<vmem>>, vector<2048x72xf32>
      %slice3A_52 = vector.extract_strided_slice %get3A_51 {offsets = [0, 64], sizes = [2048, 1], strides = [1, 1]} : vector<2048x72xf32> to vector<2048x1xf32>
      %gt3A = arith.constant 0.000000e+00 : f32
      %gt3A_53 = vector.broadcast %gt3A : f32 to vector<2048x1xf32>
      %gt3A_54 = arith.cmpf ogt, %slice3A_52, %gt3A_53 : vector<2048x1xf32>
      %slice3A_55 = vector.extract_strided_slice %get3A_51 {offsets = [0, 0], sizes = [2048, 64], strides = [1, 1]} : vector<2048x72xf32> to vector<2048x64xf32>
      %div3A_56 = vector.broadcast %slice3A_52 : vector<2048x1xf32> to vector<2048x64xf32>
      %div3A_57 = arith.divf %slice3A_55, %div3A_56 : vector<2048x64xf32>
      %jit3A_58 = arith.constant 0.000000e+00 : f32
      %broadcast_in_dim3A_59 = vector.shape_cast %gt3A_54 : vector<2048x1xi1> to vector<2048x1xi1>
      %broadcast_in_dim3A_60 = vector.broadcast %broadcast_in_dim3A_59 : vector<2048x1xi1> to vector<2048x64xi1>
      %broadcast_in_dim3A_61 = vector.broadcast %jit3A_58 : f32 to vector<2048x64xf32>
      %select_n3A_62 = arith.select %broadcast_in_dim3A_60, %div3A_57, %broadcast_in_dim3A_61 : vector<2048x64xi1>, vector<2048x64xf32>
      %swap3A_63 = arith.constant 0 : index
      %swap3A_64 = arith.constant 0 : index
      %swap3A_65 = vector.load %arg3[%swap3A_63, %swap3A_64] : memref<2048x64xf32, #tpu.memory_space<vmem>>, vector<2048x64xf32>
      tpu.vector_store %arg3[%swap3A_63, %swap3A_64], %select_n3A_62 {strides = array<i32>} : memref<2048x64xf32, #tpu.memory_space<vmem>>, vector<2048x64xf32>,
    } else {
    }
    return
  }
  func.func @transform_0(%arg0: i32) -> (i32, i32) {
    %c0_i32 = arith.constant 0 : i32
    %c0_i32_0 = arith.constant 0 : i32
    return %arg0, %c0_i32 : i32, i32
  }
  func.func @transform_1(%arg0: i32) -> (i32, i32) {
    %c0_i32 = arith.constant 0 : i32
    %c0_i32_0 = arith.constant 0 : i32
    %c0_i32_1 = arith.constant 0 : i32
    return %c0_i32, %c0_i32_0 : i32, i32
  }
  func.func @transform_2(%arg0: i32) -> (i32, i32) {
    %c0_i32 = arith.constant 0 : i32
    %c0_i32_0 = arith.constant 0 : i32
    %c0_i32_1 = arith.constant 0 : i32
    return %c0_i32, %c0_i32_0 : i32, i32
  }
}

</mosaic_0001>

<sc_bundles>
// kernel: kernel.5.cloned.1.call-start
scs
__scs_entry_jumppad:
0x0: {  	(pc) =	sbr.rel $0x88, $3  }
0x1: {  	(tag) =	ssettag $0x0;
	lr =	simm.s32 $0x1  }
0x2: {  	[smem:$0x3F9C] =	sst lr;
	_ =	strace $0xD0000000  }
0x3: {  	_ = 	snop  }
0x4: {  	_ = 	snop  }
0x5: {  	_ = 	snop  }
0x6: {  	_ = 	snop  }
0x7: {  	_ = 	snop  }
__scs_overlays_trampoline_lowered:
0x8: {  	[smem:$0x3FAB] =	sst s0  }
0x9: {  	[smem:$0x3FAC] =	sst s1  }
0xa: {  	[smem:$0x3FAD] =	sst s2  }
0xb: {  	[smem:$0x3FAE] =	sst s3  }
0xc: {  	[smem:$0x3FAF] =	sst s4  }
0xd: {  	[smem:$0x3FB0] =	sst s5  }
0xe: {  	[smem:$0x3FB1] =	sst s6  }
0xf: {  	[smem:$0x3FB2] =	sst s7  }
0x10: {  	[smem:$0x3FB3] =	sst s8  }
0x11: {  	[smem:$0x3FB4] =	sst s9;
	s0 =	simm.s32 @!p0 $0x0  }
0x12: {  	s1 =	sld [smem:$0x3F9A];
	s0 =	simm.s32 @p0 $0x1  }
0x13: {  	[smem:$0x3FB5] =	sst s0;
	s0 =	simm.s32 @!p1 $0x0  }
0x14: {  	s2 =	sld [smem:$0x3F99];
	s0 =	simm.s32 @p1 $0x1  }
0x15: {  	[smem:$0x3FB6] =	sst s0;
	s0 =	simm.s32 @!p2 $0x0  }
0x16: {  	s3 =	sld [smem:$0x3FDB];
	s0 =	simm.s32 @p2 $0x1  }
0x17: {  	s4 =	simm.s32 $0x1BF5;
	[smem:$0x3FB8] =	sst s0  }
0x18: {  	s0 =	sld [smem:$0x3F9B];
	_ =	swait.ge [sflag:s4], $0x0  }
0x19: {  	s7 =	sld [smem:$0x3F9C]  }
0x1a: {  	s8 =	sadd.s32 $0xFFFFE003, lr  }
0x1b: {  	s9 =	sadd.s32 $0xFFFFFEF7, lr;
	s5 =	simm.s32 $0xFFFFFFFF;
	p2 =	slt.u32 s8, $0xFFFFF086  }
0x1c: {  	p1 =	slt.u32 s9, $0xF7A;
	s5 =	simm.s32 @!p2 $0x0  }
0x1d: {  	s5 =	simm.s32 @p1 $0x1;
	p0 =	seq.s32 s7, s2  }
0x1e: {  	s7 =	smul.u32 @!p0 $0xF7A, s2;
	p2 =	seq.s32 @!p0 s5, $0x0  }
0x1f: {  	s9 =	smul.u32 $0xF7A, s1;
	s8 =	simm.s32 @!p0 $0x1BF5;
	p2 =	por !p2, p0  }
0x20: {  	[sflag:s8] =	ssyncset.s32 @!p0 $0xFFFFF086;
	s6 =	sadd.s32 @!p0 s3, s7;
	s7 =	simm.s32 @!p0 $0x108  }
0x21: {  	s3 =	sadd.s32 s3, s9;
	s6 =	sadd.s32 @!p0 $0x88, s6;
	s7 =	simm.s32 @p2 $0x1082  }
0x22: {  	[simem:s7], [sflag:s8] =	dma.local @!p0 [hbm:s6], $0xF7A  }
0x23: {  	s9 =	sor.u32 $0xD0000000, s2;
	s6 =	simm.s32 $0x108;
	_ =	swait.ge @!p0 [sflag:s8], $0x0  }
0x24: {  	s3 =	sadd.s32 $0x88, s3;
	s6 =	simm.s32 @!p1 $0x1082;
	[sflag:s4] =	ssyncset.s32 $0xFFFFF086  }
0x25: {  	[simem:s6], [sflag:s4] =	dma.local [hbm:s3], $0xF7A  }
0x26: {  	[smem:$0x3F9C] =	sst s1;
	(tag) =	ssettag s2;
	_ =	strace s9  }
0x27: {  	s1 =	sld [smem:$0x3FAC]  }
0x28: {  	s2 =	sld [smem:$0x3FAD]  }
0x29: {  	s4 =	sld [smem:$0x3FAF]  }
0x2a: {  	p0 =	seq.s32 s5, $0x0;
	s5 =	sld [smem:$0x3FB0]  }
0x2b: {  	s6 =	sld [smem:$0x3FB1]  }
0x2c: {  	s7 =	sld [smem:$0x3FB2]  }
0x2d: {  	s3 =	simm.s32 $0x108;
	s8 =	sld [smem:$0x3FB3]  }
0x2e: {  	s3 =	simm.s32 @!p0 $0x1082;
	s9 =	sld [smem:$0x3FB4]  }
0x2f: {  	lr =	sadd.s32 s0, s3;
	s0 =	sld [smem:$0x3FAB]  }
0x30: {  	s3 =	sld [smem:$0x3FAE]  }
0x31: {  	[smem:$0x3FB7] =	sst s10  }
0x32: {  	s10 =	sld [smem:$0x3FB5];
	_ =	sdelay $0x3  }
0x33: {  	p0 =	seq.s32 s10, $0x1;
	s10 =	sld [smem:$0x3FB7];
	_ =	sdelay $0x3  }
0x34: {  	[smem:$0x3FB7] =	sst s10  }
0x35: {  	s10 =	sld [smem:$0x3FB6];
	_ =	sdelay $0x3  }
0x36: {  	p1 =	seq.s32 s10, $0x1;
	s10 =	sld [smem:$0x3FB7];
	_ =	sdelay $0x3  }
0x37: {  	[smem:$0x3FB7] =	sst s10  }
0x38: {  	s10 =	sld [smem:$0x3FB8]  }
0x39: {  	_ = 	snop;
	(pc) =	sbr.ind lr, $3  }
0x3a: {  	_ = 	snop  }
0x3b: {  	_ = 	snop  }
0x3c: {  	p2 =	seq.s32 s10, $0x1;
	s10 =	sld [smem:$0x3FB7]  }
0x3d: {  	_ =	shalt  }
0x3e: {  	_ =	shalt  }
0x3f: {  	_ =	shalt  }
0x40: {  	_ =	shalt  }
0x41: {  	_ =	shalt  }
0x42: {  	_ =	shalt  }
0x43: {  	_ =	shalt  }
0x44: {  	_ =	shalt  }
0x45: {  	_ =	shalt  }
0x46: {  	_ =	shalt  }
0x47: {  	_ =	shalt  }
0x48: {  	_ =	shalt  }
0x49: {  	_ =	shalt  }
0x4a: {  	_ =	shalt  }
0x4b: {  	_ =	shalt  }
0x4c: {  	_ =	shalt  }
0x4d: {  	_ =	shalt  }
0x4e: {  	_ =	shalt  }
0x4f: {  	_ =	shalt  }
0x50: {  	_ =	shalt  }
0x51: {  	_ =	shalt  }
0x52: {  	_ =	shalt  }
0x53: {  	_ =	shalt  }
0x54: {  	_ =	shalt  }
0x55: {  	_ =	shalt  }
0x56: {  	_ =	shalt  }
0x57: {  	_ =	shalt  }
0x58: {  	_ =	shalt  }
0x59: {  	_ =	shalt  }
0x5a: {  	_ =	shalt  }
0x5b: {  	_ =	shalt  }
0x5c: {  	_ =	shalt  }
0x5d: {  	_ =	shalt  }
0x5e: {  	_ =	shalt  }
0x5f: {  	_ =	shalt  }
0x60: {  	_ =	shalt  }
0x61: {  	_ =	shalt  }
0x62: {  	_ =	shalt  }
0x63: {  	_ =	shalt  }
0x64: {  	_ =	shalt  }
0x65: {  	_ =	shalt  }
0x66: {  	_ =	shalt  }
0x67: {  	_ =	shalt  }
0x68: {  	_ =	shalt  }
0x69: {  	_ =	shalt  }
0x6a: {  	_ =	shalt  }
0x6b: {  	_ =	shalt  }
0x6c: {  	_ =	shalt  }
0x6d: {  	_ =	shalt  }
0x6e: {  	_ =	shalt  }
0x6f: {  	_ =	shalt  }
0x70: {  	_ =	shalt  }
0x71: {  	_ =	shalt  }
0x72: {  	_ =	shalt  }
0x73: {  	_ =	shalt  }
0x74: {  	_ =	shalt  }
0x75: {  	_ =	shalt  }
0x76: {  	_ =	shalt  }
0x77: {  	_ =	shalt  }
0x78: {  	_ =	shalt  }
0x79: {  	_ =	shalt  }
0x7a: {  	_ =	shalt  }
0x7b: {  	_ =	shalt  }
0x7c: {  	_ =	shalt  }
0x7d: {  	_ =	shalt  }
0x7e: {  	_ =	shalt  }
0x7f: {  	_ =	shalt  }
0x80: {  	_ =	shalt  }
0x81: {  	_ =	shalt  }
0x82: {  	_ =	shalt  }
0x83: {  	_ =	shalt  }
0x84: {  	_ =	shalt  }
0x85: {  	_ =	shalt  }
0x86: {  	_ =	shalt  }
0x87: {  	_ =	shalt  }
.Lfunc_end0:
.L_simem_size_0:
called_computation.1_lowered:
.L_overlay_start_0:
0x88: {  	s2 =	sld [smem:$0x3FD9]  }
0x89: {  	s3 =	sld [smem:$0x3FFE];
	_ =	sdelay $0x1  }
0x8a: {  	s1 =	srdreg.scid  }
0x8b: {  	s0 =	sand.u32 $0x1, s1  }
0x8c: {  	s17 =	sshll.u32 s0, $0xA;
	s2 =	sadd.s32 s3, s2  }
0x8d: {  	s2 =	sadd.s32 s2, s17  }
0x8e: {  	[smem:$0x3FC3] =	sst s2  }
0x8f: {  	_ = 	snop  }
0x90: {  	s2 =	sld [smem:$0x3FD0];
	(tm) =	ssettm $0x1  }
0x91: {  	s18 =	sld [smem:$0x3FFB];
	_ =	sdelay $0x3  }
0x92: {  	_ =	strace s18  }
0x93: {  	s3 =	sld [smem:$0x3FFC];
	_ =	sdelay $0x3  }
0x94: {  	_ =	strace s3  }
0x95: {  	s3 =	sld [smem:$0x3FFD];
	_ =	sdelay $0x3  }
0x96: {  	_ =	strace s3  }
0x97: {  	_ =	strace $0x8FFFFFFF  }
0x98: {  	s19 =	sld [smem:$0x3FDB];
	_ =	sdelay $0x1  }
0x99: {  	s4 =	simm.s32 $_scs_section_size  }
0x9a: {  	s5 =	simm.s32 $_size__tile_overlayer_lowered;
	s6 =	simm.s32 $_tile_overlayer_lowered  }
0x9b: {  	s22 =	simm.s32 $0x1BFF;
	s21 =	sshll.u32 s6, $0x1;
	s3 =	sadd.s32 s4, s19  }
0x9c: {  	s7 =	simm.s32 $0x0;
	s20 =	sshll.u32 s5, $0x1;
	s5 =	sadd.s32 s21, s3  }
0x9d: {  	[timem:s7], [sflag:s22] =	dma.local [hbm:s5], s20  }
0x9e: {  	_ =	swait.ge [sflag:s22], s20  }
0x9f: {  	s4 =	ssub.s32 $0x0, s20;
	[sflag:s22] =	ssyncset.done $0x0  }
0xa0: {  	[sflag:s22] =	ssyncadd.s32 s4;
	_ =	sdelay $0x1  }
0xa1: {  	s23 =	simm.s32 $0x1B8B  }
0xa2: {  	_ =	swait.ge [sflag:s23], $0x1  }
0xa3: {  	[sflag:s23] =	ssyncset.done $0x0  }
0xa4: {  	s25 =	simm.s32 $0x1B8E;
	s24 =	sld [smem:$0x3FFE];
	[sflag:s23] =	ssyncadd.s32 $0xFFFFFFFF  }
0xa5: {  	s26 =	simm.s32 $execute0_lowered;
	[smem:$0x3FD2] =	sst s25  }
0xa6: {  	s5 =	sshll.u32 s26, $0x1;
	_ =	strace $0x80000046;
	[dreg:$0x1] =	wrdreg $0xFFFFFFFF  }
0xa7: {  	s28 =	simm.s32 $_size_execute0_lowered;
	s3 =	sadd.s32 s3, s5;
	[dreg:$0x0] =	wrdreg $0x0  }
0xa8: {  	s5 =	sshll.u32 s28, $0x1;
	[dreg:$0x2] =	wrdreg s3  }
0xa9: {  	[dreg:$0x3] =	wrdreg s5  }
0xaa: {  	[dreg:$0x4] =	wrdreg $0xC0  }
0xab: {  	_ =	task [dreg:s7], $0x5FFFF  }
0xac: {  	[dreg:$0x1] =	wrdreg $0xFFFFFFFF  }
0xad: {  	[dreg:$0x0] =	wrdreg $0x60  }
0xae: {  	[dreg:$0x2] =	wrdreg s24  }
0xaf: {  	[dreg:$0x3] =	wrdreg s2  }
0xb0: {  	[dreg:$0x4] =	wrdreg $0x9  }
0xb1: {  	_ =	task.clear_ibuf [dreg:s7], $0x5FFFF;
	_ =	strace $0x90000046  }
0xb2: {  	s29 =	simm.s32 $0x9;
	_ =	strace $0x80000048  }
0xb3: {  	_ =	swait.ge [sflag:s29], $0x1  }
0xb4: {  	[sflag:s29] =	ssyncadd.s32 $0xFFFFFFFF  }
0xb5: {  	_ =	strace $0x90000048  }
0xb6: {  	_ =	sfence  }
0xb7: {  	s30 =	sld [smem:$0x0];
	_ =	sdelay $0x2  }
0xb8: {  	s31 =	sshll.u32 s1, $0xD;
	s1 =	sshrl.u32 s1, $0x2  }
0xb9: {  	s3 =	sand.u32 $0x4000, s31;
	s1 =	sadd.s32 s1, s30  }
0xba: {  	s0 =	sor.u32 s3, s0;
	s1 =	sshll.u32 s1, $0x11  }
0xbb: {  	s0 =	sor.u32 s1, s0  }
0xbc: {  	s0 =	sadd.s32 $0x8F2B, s0  }
0xbd: {  	[sflag:s0] =	ssyncadd.remote.s32 $0x1  }
0xbe: {  	_ =	sfence.sel $0xFFFF  }
0xbf: {  	[dreg:$0x0] =	wrdreg $0xFFFFFFFF;
	(pc) =	sbr.abs _section_cstart, $3  }
0xc0: {  	[dreg:$0x1] =	wrdreg $0xFFFFFFFF  }
0xc1: {  	_ =	task.clear_ibuf [dreg:s7], $0x2FFFF;
	_ =	strace $0x9FFFFFFF  }
0xc2: {  	(tm) =	ssettm $0x7FFFFFFF  }
0xc3: {  	_ =	shalt  }
tec
execute0_lowered:
.L_overlay_start_1:
0x0: {  	(tag) =	ssettag $0x1  }
0x1: {  	s1 =	srdreg.scid;
	s0 =	stileid.u32  }
0x2: {  	s6 =	sand.u32 $0x1, s1;
	s30 =	sshll.u32 s0, $0x1  }
0x3: {  	s5 =	rddreg [dreg:$0x0];
	s8 =	sor.u32 s6, s30  }
0x4: {  	s9 =	rddreg [dreg:$0x1];
	s2 =	simm.s32 $0x0;
	s3 =	smul.u32 $0x28, s8  }
0x5: {  	[smem:$0x7FF] =	sst s2  }
0x6: {  	s1 =	rddreg [dreg:$0x2];
	_ =	strace $0x80000047;
	s3 =	sadd.s32 s3, s5  }
0x7: {  	s10 =	ssub.s32 $0x2, s6;
	s4 =	sadd.s32 $0xC4800, s3;
	s3 =	simm.s32 $0x2  }
0x8: {  	[tilespmem:s2], [sflag:$0x2] =	stream.linear.gather [hbm4b:s4+s2], $0x140, $0x38;
	[tilespmem:$0x5140] =	vst v63  }
0x9: {  	s7 =	simm.s32 $0x1;
	s11 =	sshrl.u32 s10, $0x1;
	_ =	swait.ge [sflag:s3], $0x140  }
0xa: {  	s6 =	simm.s32 $0x140;
	s10 =	ssub.s32 s10, s11;
	[sflag:s3] =	ssyncset.done $0x0  }
0xb: {  	s5 =	sadd.s32 $0x1200, s5;
	s31 =	smax.u32 s10, $0x1;
	[sflag:s3] =	ssyncadd.s32 $0xFFFFFEC0  }
0xc: {  	[tilespmem:s6], [sflag:$0x1] =	stream.indirect.gather [hbm4b:s5+s6], $0x40, s2, s6, $0xb8;
	[tilespmem:$0x5140] =	vst v63  }
0xd: {  	s8 =	smul.u32 $0xA00, s8;
	p0 =	sne.s32 s31, $0x1;
	_ =	swait.ge [sflag:s7], $0x5000  }
.Ltmp0:
0xe: {  	[sflag:s7] =	ssyncset.done $0x0;
	(pc) =	sbr.rel @!p0 .LBB2_2-.Ltmp0, $4  }
0xf: {  	s8 =	sadd.s32 s9, s8;
	[sflag:s7] =	ssyncadd.s32 $0xFFFFB000  }
0x10: {  	[hbm4b:s8+s2] =	stream.linear.scatter [tilespmem:s6], [sflag:$0x2], $0x5000, $0x38;
	[tilespmem:$0x5140] =	vst v63  }
0x11: {  	_ =	swait.ge [sflag:s3], $0x5000  }
0x12: {  	s9 =	sadd.s32 $0xFFFFFFFF, s31;
	[sflag:s3] =	ssyncset.done $0x0  }
.LBB2_1:
0x13: {  	p0 =	sne.s32 s9, $0x1;
	s9 =	sadd.s32 $0xFFFFFFFF, s9;
	[sflag:s3] =	ssyncadd.s32 $0xFFFFB000  }
0x14: {  	[tilespmem:s2], [sflag:$0x2] =	stream.linear.gather [hbm4b:s4+s2], $0x140, $0x38;
	[tilespmem:$0x5140] =	vst v63  }
0x15: {  	_ =	swait.ge [sflag:s3], $0x140  }
0x16: {  	[sflag:s3] =	ssyncset.done $0x0  }
0x17: {  	[sflag:s3] =	ssyncadd.s32 $0xFFFFFEC0  }
0x18: {  	[tilespmem:s6], [sflag:$0x1] =	stream.indirect.gather [hbm4b:s5+s6], $0x40, s2, s6, $0xb8;
	[tilespmem:$0x5140] =	vst v63  }
0x19: {  	_ =	swait.ge [sflag:s7], $0x5000  }
.Ltmp1:
0x1a: {  	[sflag:s7] =	ssyncset.done $0x0;
	(pc) =	sbr.rel @p0 .LBB2_1-.Ltmp1, $4  }
0x1b: {  	[sflag:s7] =	ssyncadd.s32 $0xFFFFB000  }
0x1c: {  	[hbm4b:s8+s2] =	stream.linear.scatter [tilespmem:s6], [sflag:$0x2], $0x5000, $0x38;
	[tilespmem:$0x5140] =	vst v63  }
0x1d: {  	_ =	swait.ge [sflag:s3], $0x5000  }
0x1e: {  	[sflag:s3] =	ssyncset.done $0x0  }
.LBB2_2:
0x1f: {  	[sflag:s3] =	ssyncadd.s32 $0xFFFFB000  }
0x20: {  	_ =	sfence.sel $0x180000  }
0x21: {  	[bflag:$0x0] =	sbarrier.arrive $0xFFFF  }
0x22: {  	p0 =	sne.s32 s0, $0x0;
	_ =	strace $0x90000047  }
0x23: {  	s0 =	sadd.s32 @!p0 $0x100000, s1;
	[bflag:$0x2] =	sbarrier.arrive $0xFFFF  }
0x24: {  	[sflag:s0] =	ssyncadd.tile.s32 @!p0 $0x1;
	_ =	shalt  }
.Lfunc_end2:
_tile_overlayer_lowered:
.L_overlay_start_2:
0x25: {  	(tag) =	ssettag $0x2  }
0x26: {  	s0 =	rddreg [dreg:$0x0];
	s2 =	stileid.u32  }
0x27: {  	s1 =	rddreg [dreg:$0x1];
	p0 =	sne.s32 s2, $0x0  }
0x28: {  	s3 =	rddreg [dreg:$0x2];
	[bflag:$0x3] =	sbarrier.arrive $0xFFFF;
	s2 =	simm.s32 @!p0 $0x1C02  }
0x29: {  	[timem:s3], [sflag:s2] =	dma.local @!p0 [hbm:s0], s1  }
0x2a: {  	s0 =	simm.s32 @!p0 $0x2  }
0x2b: {  	_ =	swait.ge @!p0 [sflag:s0], s1  }
0x2c: {  	s1 =	ssub.s32 @!p0 $0x0, s1;
	[sflag:s0] =	ssyncset.done @!p0 $0x0  }
0x2d: {  	[sflag:s0] =	ssyncadd.s32 @!p0 s1  }
0x2e: {  	[bflag:$0x3] =	sbarrier.arrive $0xFFFF  }
0x2f: {  	_ =	shalt  }

// kernel: kernel.8.cloned.1.call-start
scs
__scs_entry_jumppad:
0x0: {  	(pc) =	sbr.rel $0x88, $3  }
0x1: {  	(tag) =	ssettag $0x0;
	lr =	simm.s32 $0x1  }
0x2: {  	[smem:$0x3F9C] =	sst lr;
	_ =	strace $0xD0000000  }
0x3: {  	_ = 	snop  }
0x4: {  	_ = 	snop  }
0x5: {  	_ = 	snop  }
0x6: {  	_ = 	snop  }
0x7: {  	_ = 	snop  }
__scs_overlays_trampoline_lowered:
0x8: {  	[smem:$0x3FAB] =	sst s0  }
0x9: {  	[smem:$0x3FAC] =	sst s1  }
0xa: {  	[smem:$0x3FAD] =	sst s2  }
0xb: {  	[smem:$0x3FAE] =	sst s3  }
0xc: {  	[smem:$0x3FAF] =	sst s4  }
0xd: {  	[smem:$0x3FB0] =	sst s5  }
0xe: {  	[smem:$0x3FB1] =	sst s6  }
0xf: {  	[smem:$0x3FB2] =	sst s7  }
0x10: {  	[smem:$0x3FB3] =	sst s8  }
0x11: {  	[smem:$0x3FB4] =	sst s9;
	s0 =	simm.s32 @!p0 $0x0  }
0x12: {  	s1 =	sld [smem:$0x3F9A];
	s0 =	simm.s32 @p0 $0x1  }
0x13: {  	[smem:$0x3FB5] =	sst s0;
	s0 =	simm.s32 @!p1 $0x0  }
0x14: {  	s2 =	sld [smem:$0x3F99];
	s0 =	simm.s32 @p1 $0x1  }
0x15: {  	[smem:$0x3FB6] =	sst s0;
	s0 =	simm.s32 @!p2 $0x0  }
0x16: {  	s3 =	sld [smem:$0x3FDB];
	s0 =	simm.s32 @p2 $0x1  }
0x17: {  	s4 =	simm.s32 $0x1BF5;
	[smem:$0x3FB8] =	sst s0  }
0x18: {  	s0 =	sld [smem:$0x3F9B];
	_ =	swait.ge [sflag:s4], $0x0  }
0x19: {  	s7 =	sld [smem:$0x3F9C]  }
0x1a: {  	s8 =	sadd.s32 $0xFFFFE003, lr  }
0x1b: {  	s9 =	sadd.s32 $0xFFFFFEF7, lr;
	s5 =	simm.s32 $0xFFFFFFFF;
	p2 =	slt.u32 s8, $0xFFFFF086  }
0x1c: {  	p1 =	slt.u32 s9, $0xF7A;
	s5 =	simm.s32 @!p2 $0x0  }
0x1d: {  	s5 =	simm.s32 @p1 $0x1;
	p0 =	seq.s32 s7, s2  }
0x1e: {  	s7 =	smul.u32 @!p0 $0xF7A, s2;
	p2 =	seq.s32 @!p0 s5, $0x0  }
0x1f: {  	s9 =	smul.u32 $0xF7A, s1;
	s8 =	simm.s32 @!p0 $0x1BF5;
	p2 =	por !p2, p0  }
0x20: {  	[sflag:s8] =	ssyncset.s32 @!p0 $0xFFFFF086;
	s6 =	sadd.s32 @!p0 s3, s7;
	s7 =	simm.s32 @!p0 $0x108  }
0x21: {  	s3 =	sadd.s32 s3, s9;
	s6 =	sadd.s32 @!p0 $0x88, s6;
	s7 =	simm.s32 @p2 $0x1082  }
0x22: {  	[simem:s7], [sflag:s8] =	dma.local @!p0 [hbm:s6], $0xF7A  }
0x23: {  	s9 =	sor.u32 $0xD0000000, s2;
	s6 =	simm.s32 $0x108;
	_ =	swait.ge @!p0 [sflag:s8], $0x0  }
0x24: {  	s3 =	sadd.s32 $0x88, s3;
	s6 =	simm.s32 @!p1 $0x1082;
	[sflag:s4] =	ssyncset.s32 $0xFFFFF086  }
0x25: {  	[simem:s6], [sflag:s4] =	dma.local [hbm:s3], $0xF7A  }
0x26: {  	[smem:$0x3F9C] =	sst s1;
	(tag) =	ssettag s2;
	_ =	strace s9  }
0x27: {  	s1 =	sld [smem:$0x3FAC]  }
0x28: {  	s2 =	sld [smem:$0x3FAD]  }
0x29: {  	s4 =	sld [smem:$0x3FAF]  }
0x2a: {  	p0 =	seq.s32 s5, $0x0;
	s5 =	sld [smem:$0x3FB0]  }
0x2b: {  	s6 =	sld [smem:$0x3FB1]  }
0x2c: {  	s7 =	sld [smem:$0x3FB2]  }
0x2d: {  	s3 =	simm.s32 $0x108;
	s8 =	sld [smem:$0x3FB3]  }
0x2e: {  	s3 =	simm.s32 @!p0 $0x1082;
	s9 =	sld [smem:$0x3FB4]  }
0x2f: {  	lr =	sadd.s32 s0, s3;
	s0 =	sld [smem:$0x3FAB]  }
0x30: {  	s3 =	sld [smem:$0x3FAE]  }
0x31: {  	[smem:$0x3FB7] =	sst s10  }
0x32: {  	s10 =	sld [smem:$0x3FB5];
	_ =	sdelay $0x3  }
0x33: {  	p0 =	seq.s32 s10, $0x1;
	s10 =	sld [smem:$0x3FB7];
	_ =	sdelay $0x3  }
0x34: {  	[smem:$0x3FB7] =	sst s10  }
0x35: {  	s10 =	sld [smem:$0x3FB6];
	_ =	sdelay $0x3  }
0x36: {  	p1 =	seq.s32 s10, $0x1;
	s10 =	sld [smem:$0x3FB7];
	_ =	sdelay $0x3  }
0x37: {  	[smem:$0x3FB7] =	sst s10  }
0x38: {  	s10 =	sld [smem:$0x3FB8]  }
0x39: {  	_ = 	snop;
	(pc) =	sbr.ind lr, $3  }
0x3a: {  	_ = 	snop  }
0x3b: {  	_ = 	snop  }
0x3c: {  	p2 =	seq.s32 s10, $0x1;
	s10 =	sld [smem:$0x3FB7]  }
0x3d: {  	_ =	shalt  }
0x3e: {  	_ =	shalt  }
0x3f: {  	_ =	shalt  }
0x40: {  	_ =	shalt  }
0x41: {  	_ =	shalt  }
0x42: {  	_ =	shalt  }
0x43: {  	_ =	shalt  }
0x44: {  	_ =	shalt  }
0x45: {  	_ =	shalt  }
0x46: {  	_ =	shalt  }
0x47: {  	_ =	shalt  }
0x48: {  	_ =	shalt  }
0x49: {  	_ =	shalt  }
0x4a: {  	_ =	shalt  }
0x4b: {  	_ =	shalt  }
0x4c: {  	_ =	shalt  }
0x4d: {  	_ =	shalt  }
0x4e: {  	_ =	shalt  }
0x4f: {  	_ =	shalt  }
0x50: {  	_ =	shalt  }
0x51: {  	_ =	shalt  }
0x52: {  	_ =	shalt  }
0x53: {  	_ =	shalt  }
0x54: {  	_ =	shalt  }
0x55: {  	_ =	shalt  }
0x56: {  	_ =	shalt  }
0x57: {  	_ =	shalt  }
0x58: {  	_ =	shalt  }
0x59: {  	_ =	shalt  }
0x5a: {  	_ =	shalt  }
0x5b: {  	_ =	shalt  }
0x5c: {  	_ =	shalt  }
0x5d: {  	_ =	shalt  }
0x5e: {  	_ =	shalt  }
0x5f: {  	_ =	shalt  }
0x60: {  	_ =	shalt  }
0x61: {  	_ =	shalt  }
0x62: {  	_ =	shalt  }
0x63: {  	_ =	shalt  }
0x64: {  	_ =	shalt  }
0x65: {  	_ =	shalt  }
0x66: {  	_ =	shalt  }
0x67: {  	_ =	shalt  }
0x68: {  	_ =	shalt  }
0x69: {  	_ =	shalt  }
0x6a: {  	_ =	shalt  }
0x6b: {  	_ =	shalt  }
0x6c: {  	_ =	shalt  }
0x6d: {  	_ =	shalt  }
0x6e: {  	_ =	shalt  }
0x6f: {  	_ =	shalt  }
0x70: {  	_ =	shalt  }
0x71: {  	_ =	shalt  }
0x72: {  	_ =	shalt  }
0x73: {  	_ =	shalt  }
0x74: {  	_ =	shalt  }
0x75: {  	_ =	shalt  }
0x76: {  	_ =	shalt  }
0x77: {  	_ =	shalt  }
0x78: {  	_ =	shalt  }
0x79: {  	_ =	shalt  }
0x7a: {  	_ =	shalt  }
0x7b: {  	_ =	shalt  }
0x7c: {  	_ =	shalt  }
0x7d: {  	_ =	shalt  }
0x7e: {  	_ =	shalt  }
0x7f: {  	_ =	shalt  }
0x80: {  	_ =	shalt  }
0x81: {  	_ =	shalt  }
0x82: {  	_ =	shalt  }
0x83: {  	_ =	shalt  }
0x84: {  	_ =	shalt  }
0x85: {  	_ =	shalt  }
0x86: {  	_ =	shalt  }
0x87: {  	_ =	shalt  }
.Lfunc_end0:
.L_simem_size_0:
called_computation.2_lowered:
.L_overlay_start_0:
0x88: {  	s2 =	sld [smem:$0x3FD9]  }
0x89: {  	s3 =	sld [smem:$0x3FFE];
	_ =	sdelay $0x1  }
0x8a: {  	s1 =	srdreg.scid  }
0x8b: {  	s0 =	sand.u32 $0x1, s1  }
0x8c: {  	s17 =	sshll.u32 s0, $0xA;
	s2 =	sadd.s32 s3, s2  }
0x8d: {  	s2 =	sadd.s32 s2, s17  }
0x8e: {  	[smem:$0x3FC3] =	sst s2  }
0x8f: {  	_ = 	snop  }
0x90: {  	s2 =	sld [smem:$0x3FC8]  }
0x91: {  	s18 =	sld [smem:$0x3FD0];
	(tm) =	ssettm $0x1  }
0x92: {  	s4 =	sld [smem:$0x3FFB];
	_ =	sdelay $0x3  }
0x93: {  	_ =	strace s4  }
0x94: {  	s4 =	sld [smem:$0x3FFC];
	_ =	sdelay $0x3  }
0x95: {  	_ =	strace s4  }
0x96: {  	s4 =	sld [smem:$0x3FFD];
	_ =	sdelay $0x3  }
0x97: {  	_ =	strace s4  }
0x98: {  	_ =	strace $0x8FFFFFFF  }
0x99: {  	s19 =	sld [smem:$0x3FDB];
	_ =	sdelay $0x1  }
0x9a: {  	s5 =	simm.s32 $_scs_section_size  }
0x9b: {  	s6 =	simm.s32 $_size__tile_overlayer_lowered;
	s7 =	simm.s32 $_tile_overlayer_lowered  }
0x9c: {  	s22 =	simm.s32 $0x1BFF;
	s21 =	sshll.u32 s7, $0x1;
	s4 =	sadd.s32 s5, s19  }
0x9d: {  	s8 =	simm.s32 $0x0;
	s20 =	sshll.u32 s6, $0x1;
	s6 =	sadd.s32 s21, s4  }
0x9e: {  	[timem:s8], [sflag:s22] =	dma.local [hbm:s6], s20  }
0x9f: {  	_ =	swait.ge [sflag:s22], s20  }
0xa0: {  	s5 =	ssub.s32 $0x0, s20;
	[sflag:s22] =	ssyncset.done $0x0  }
0xa1: {  	[sflag:s22] =	ssyncadd.s32 s5;
	_ =	sdelay $0x1  }
0xa2: {  	s23 =	simm.s32 $0x1B8B  }
0xa3: {  	_ =	swait.ge [sflag:s23], $0x1  }
0xa4: {  	[sflag:s23] =	ssyncset.done $0x0  }
0xa5: {  	s25 =	simm.s32 $0x1B8E;
	s24 =	sld [smem:$0x3FFE];
	[sflag:s23] =	ssyncadd.s32 $0xFFFFFFFF  }
0xa6: {  	s26 =	simm.s32 $execute0_lowered;
	[smem:$0x3FD2] =	sst s25  }
0xa7: {  	s6 =	sshll.u32 s26, $0x1;
	_ =	strace $0x80000049;
	[dreg:$0x1] =	wrdreg $0xFFFFFFFF  }
0xa8: {  	s28 =	simm.s32 $_size_execute0_lowered;
	s4 =	sadd.s32 s4, s6;
	[dreg:$0x0] =	wrdreg $0x0  }
0xa9: {  	s6 =	sshll.u32 s28, $0x1;
	[dreg:$0x2] =	wrdreg s4  }
0xaa: {  	[dreg:$0x3] =	wrdreg s6  }
0xab: {  	[dreg:$0x4] =	wrdreg $0xC0  }
0xac: {  	_ =	task [dreg:s8], $0x5FFFF  }
0xad: {  	[dreg:$0x1] =	wrdreg $0xFFFFFFFF  }
0xae: {  	[dreg:$0x0] =	wrdreg $0x60  }
0xaf: {  	[dreg:$0x2] =	wrdreg s24  }
0xb0: {  	[dreg:$0x3] =	wrdreg s2  }
0xb1: {  	[dreg:$0x4] =	wrdreg s18  }
0xb2: {  	[dreg:$0x5] =	wrdreg $0x1C2000  }
0xb3: {  	[dreg:$0x6] =	wrdreg $0x9  }
0xb4: {  	_ =	task.clear_ibuf [dreg:s8], $0x7FFFF;
	_ =	strace $0x90000049  }
0xb5: {  	s29 =	simm.s32 $0x9;
	_ =	strace $0x8000004B  }
0xb6: {  	_ =	swait.ge [sflag:s29], $0x1  }
0xb7: {  	[sflag:s29] =	ssyncadd.s32 $0xFFFFFFFF  }
0xb8: {  	_ =	strace $0x9000004B  }
0xb9: {  	_ =	sfence  }
0xba: {  	s30 =	sld [smem:$0x0];
	_ =	sdelay $0x2  }
0xbb: {  	s31 =	sshll.u32 s1, $0xD;
	s1 =	sshrl.u32 s1, $0x2  }
0xbc: {  	s3 =	sand.u32 $0x4000, s31;
	s1 =	sadd.s32 s1, s30  }
0xbd: {  	s0 =	sor.u32 s3, s0;
	s1 =	sshll.u32 s1, $0x11  }
0xbe: {  	s0 =	sor.u32 s1, s0  }
0xbf: {  	s0 =	sadd.s32 $0x8F2B, s0  }
0xc0: {  	[sflag:s0] =	ssyncadd.remote.s32 $0x1  }
0xc1: {  	_ =	sfence.sel $0xFFFF  }
0xc2: {  	[dreg:$0x0] =	wrdreg $0xFFFFFFFF;
	(pc) =	sbr.abs _section_cstart, $3  }
0xc3: {  	[dreg:$0x1] =	wrdreg $0xFFFFFFFF  }
0xc4: {  	_ =	task.clear_ibuf [dreg:s8], $0x2FFFF;
	_ =	strace $0x9FFFFFFF  }
0xc5: {  	(tm) =	ssettm $0x7FFFFFFF  }
tec
execute0_lowered:
.L_overlay_start_1:
0x0: {  	(tag) =	ssettag $0x1  }
0x1: {  	s1 =	rddreg [dreg:$0x0];
	s2 =	srdreg.scid  }
0x2: {  	s9 =	stileid.u32;
	s0 =	rddreg [dreg:$0x1];
	s5 =	simm.s32 $0x0  }
0x3: {  	s12 =	simm.s32 $0x6;
	s13 =	simm.s32 $0x1900;
	s14 =	simm.s32 $0x1  }
0x4: {  	s15 =	simm.s32 $0x140;
	s16 =	simm.s32 $0x3200;
	s17 =	simm.s32 $0xD200  }
0x5: {  	s18 =	simm.s32 $0x8200;
	s19 =	simm.s32 $0x1A40;
	s20 =	simm.s32 $0x12200  }
0x6: {  	s21 =	simm.s32 $0x2;
	s22 =	simm.s32 $0x4;
	s23 =	simm.s32 $0x17200  }
0x7: {  	s24 =	simm.s32 $0x3;
	s6 =	sand.u32 $0x1, s2;
	s3 =	sshll.u32 s9, $0x1  }
0x8: {  	s25 =	simm.s32 $0x5;
	s2 =	rddreg [dreg:$0x2];
	s4 =	sor.u32 s6, s3  }
0x9: {  	s26 =	simm.s32 $0x0;
	[smem:$0x7FF] =	sst s5;
	s4 =	smul.u32 $0x1900, s4  }
.Ltmp0:
0xa: {  	p0 =	sne.s32 s9, $0x0;
	s3 =	rddreg [dreg:$0x3];
	(pc) =	sbr.rel .LBB2_1-.Ltmp0, $4  }
0xb: {  	_ =	strace $0x8000004A;
	s10 =	ssub.s32 $0x2, s6;
	s6 =	sadd.s32 $0xCB200, s1  }
0xc: {  	s31 =	sshrl.u32 s10, $0x1;
	s11 =	sshrl.u32 @!p0 s3, $0x3;
	s7 =	sshrl.u32 s4, $0x3  }
0xd: {  	s8 =	sadd.s32 s7, s1;
	s7 =	sadd.s32 $0x1200, s1;
	s1 =	ssub.s32 s10, s31  }
0xe: {  	s9 =	sadd.s32 $0x140, s4;
	s8 =	sadd.s32 $0xC4E00, s8;
	s10 =	smax.u32 s1, $0x1  }
.LBB2_8:
0xf: {  	s26 =	sadd.s32 $0x1, s26  }
0x10: {  	p1 =	sne.s32 s26, s10  }
.Ltmp1:
0x11: {  	_ = 	snop;
	(pc) =	sbr.rel @!p1 .LBB2_9-.Ltmp1, $1  }
0x12: {  	_ =	sdelay $0x3  }
.LBB2_1:
0x13: {  	s1 =	simm.s32 @!p0 $0x1C06  }
0x14: {  	[spmem:s11], [sflag:s1] =	dma.local @!p0 [hbm:s6], $0x4008  }
0x15: {  	s1 =	simm.s32 @!p0 $0x6  }
0x16: {  	_ =	swait.ge @!p0 [sflag:s1], $0x4008  }
0x17: {  	[sflag:s1] =	ssyncset.done @!p0 $0x0  }
0x18: {  	[sflag:s1] =	ssyncadd.s32 @!p0 $0xFFFFBFF8  }
0x19: {  	[tilespmem:s5], [sflag:$0x6] =	stream.linear.gather [hbm4b:s8+s5], $0x1900, $0x38;
	[tilespmem:$0x1E208] =	vst v63  }
0x1a: {  	_ =	swait.ge [sflag:s12], $0x1900  }
0x1b: {  	[sflag:s12] =	ssyncset.done $0x0  }
0x1c: {  	[sflag:s12] =	ssyncadd.s32 $0xFFFFE700  }
0x1d: {  	[tilespmem:s13], [sflag:$0x1] =	stream.indirect.gather [hbm4b:s0+s13], $0x1, s5, s13, $0xb8;
	[tilespmem:$0x1E208] =	vst v63  }
0x1e: {  	_ =	swait.ge [sflag:s14], $0x1900  }
0x1f: {  	[sflag:s14] =	ssyncset.done $0x0  }
0x20: {  	[sflag:s14] =	ssyncadd.s32 $0xFFFFE700  }
0x21: {  	[bflag:$0x0] =	sbarrier.arrive $0xFFFF  }
0x22: {  	[tilespmem:s16], [sflag:$0x2] =	stream.indirect.gather [hbm4b:s7+s15], $0x40, s5, s15, $0xb8;
	[tilespmem:$0x1E208] =	vst v63  }
0x23: {  	_ = 	snop  }
0x24: {  	[tilespmem:s17], [sflag:$0x4] =	stream.indirect.gather [spmem:s3], $0x40, s13, s15, $0xb8;
	[tilespmem:$0x1E208] =	vst v63  }
0x25: {  	_ = 	snop  }
0x26: {  	[tilespmem:s18], [sflag:$0x3] =	stream.indirect.gather [hbm4b:s7+s15], $0x40, s15, s15, $0xb8;
	[tilespmem:$0x1E208] =	vst v63  }
0x27: {  	s28 =	simm.s32 $0x0  }
0x28: {  	[tilespmem:s20], [sflag:$0x5] =	stream.indirect.gather [spmem:s3], $0x40, s19, s15, $0xb8;
	[tilespmem:$0x1E208] =	vst v63  }
.LBB2_2:
0x29: {  	_ =	swait.ge [sflag:s21], $0x5000  }
0x2a: {  	[sflag:s21] =	ssyncset.done $0x0  }
0x2b: {  	[sflag:s21] =	ssyncadd.s32 $0xFFFFB000  }
0x2c: {  	_ =	swait.ge [sflag:s22], $0x5000  }
0x2d: {  	[sflag:s22] =	ssyncset.done $0x0  }
0x2e: {  	s29 =	simm.s32 $0x0;
	[sflag:s22] =	ssyncadd.s32 $0xFFFFB000  }
0x2f: {  	v0 =	vld [tilespmem:s29+$0x3270]  }
0x30: {  	v1 =	vld [tilespmem:s29+$0xD270]  }
0x31: {  	v2 =	vld [tilespmem:s29+$0x3200]  }
0x32: {  	v3 =	vld [tilespmem:s29+$0xD200]  }
0x33: {  	v4 =	vld [tilespmem:s29+$0x3210]  }
0x34: {  	v5 =	vld [tilespmem:s29+$0xD210]  }
0x35: {  	v6 =	vld [tilespmem:s29+$0x3220]  }
0x36: {  	v7 =	vld [tilespmem:s29+$0x3230]  }
0x37: {  	v0 =	vadd.f32 v1, v0;
	v1 =	vld [tilespmem:s29+$0xD220]  }
0x38: {  	v8 =	vld [tilespmem:s29+$0xD230]  }
0x39: {  	v9 =	vld [tilespmem:s29+$0xD240];
	v2 =	vadd.f32 v3, v2  }
0x3a: {  	[tilespmem:s29+$0x17270] =	vst v0;
	v0 =	vadd.f32 v5, v4;
	v5 =	vld [tilespmem:s29+$0x3240]  }
0x3b: {  	v3 =	vld [tilespmem:s29+$0xD250];
	[tilespmem:s29+$0x17200] =	vst v2  }
0x3c: {  	v2 =	vld [tilespmem:s29+$0x3250];
	[tilespmem:s29+$0x17210] =	vst v0;
	v0 =	vadd.f32 v1, v6  }
0x3d: {  	v4 =	vld [tilespmem:s29+$0xD260];
	v6 =	vadd.f32 v8, v7  }
0x3e: {  	s30 =	simm.s32 $0x80;
	[tilespmem:s29+$0x17220] =	vst v0;
	v0 =	vld [tilespmem:s29+$0x3260]  }
0x3f: {  	s31 =	simm.s32 $0x400;
	v5 =	vadd.f32 v9, v5;
	v1 =	vld [tilespmem:s30+$0x3270];
	[tilespmem:s29+$0x17230] =	vst v6  }
.LBB2_3:
0x40: {  	p1 =	sne.s32 s31, $0x13E00;
	v6 =	vld [tilespmem:s30+$0xD270]  }
0x41: {  	v7 =	vld [tilespmem:s30+$0x3200];
	[tilespmem:s29+$0x17240] =	vst v5;
	v2 =	vadd.f32 v3, v2  }
0x42: {  	v3 =	vld [tilespmem:s30+$0xD200]  }
0x43: {  	v5 =	vld [tilespmem:s30+$0x3210];
	[tilespmem:s29+$0x17250] =	vst v2;
	v0 =	vadd.f32 v4, v0  }
0x44: {  	v2 =	vld [tilespmem:s30+$0xD210]  }
0x45: {  	v4 =	vld [tilespmem:s30+$0x3220];
	v1 =	vadd.f32 v6, v1;
	[tilespmem:s29+$0x17260] =	vst v0;
	s29 =	smov.u32 s30  }
0x46: {  	v0 =	vld [tilespmem:s29+$0xD220]  }
0x47: {  	v3 =	vadd.f32 v3, v7;
	v6 =	vld [tilespmem:s29+$0x3230];
	[tilespmem:s29+$0x17270] =	vst v1  }
0x48: {  	v1 =	vld [tilespmem:s29+$0xD230]  }
0x49: {  	[tilespmem:s29+$0x17200] =	vst v3;
	v2 =	vadd.f32 v2, v5;
	v5 =	vld [tilespmem:s29+$0x3240]  }
0x4a: {  	v7 =	vld [tilespmem:s29+$0xD240]  }
.Ltmp2:
0x4b: {  	[tilespmem:s29+$0x17210] =	vst v2;
	v0 =	vadd.f32 v0, v4;
	v2 =	vld [tilespmem:s29+$0x3250];
	(pc) =	sbr.rel @p1 .LBB2_3-.Ltmp2, $4  }
0x4c: {  	v3 =	vld [tilespmem:s29+$0xD250]  }
0x4d: {  	[tilespmem:s29+$0x17220] =	vst v0;
	v6 =	vadd.f32 v1, v6;
	v0 =	vld [tilespmem:s29+$0x3260]  }
0x4e: {  	s30 =	sshra.s32 s31, $0x2;
	v4 =	vld [tilespmem:s29+$0xD260]  }
0x4f: {  	s31 =	sadd.s32 $0x200, s31;
	v1 =	vld [tilespmem:s30+$0x3270];
	[tilespmem:s29+$0x17230] =	vst v6;
	v5 =	vadd.f32 v7, v5  }
0x50: {  	v6 =	vld [tilespmem:s30+$0xD270]  }
0x51: {  	v7 =	vld [tilespmem:s30+$0x3200];
	[tilespmem:s29+$0x17240] =	vst v5;
	v2 =	vadd.f32 v3, v2  }
0x52: {  	v3 =	vld [tilespmem:s30+$0xD200]  }
0x53: {  	v5 =	vld [tilespmem:s30+$0x3210];
	[tilespmem:s29+$0x17250] =	vst v2;
	v0 =	vadd.f32 v4, v0  }
0x54: {  	v2 =	vld [tilespmem:s30+$0xD210]  }
0x55: {  	v4 =	vld [tilespmem:s30+$0x3220];
	[tilespmem:s29+$0x17260] =	vst v0  }
0x56: {  	v0 =	vadd.f32 v6, v1;
	v1 =	vld [tilespmem:s30+$0xD220]  }
0x57: {  	v6 =	vld [tilespmem:s30+$0x3230]  }
0x58: {  	v3 =	vadd.f32 v3, v7;
	[tilespmem:s30+$0x17270] =	vst v0;
	v0 =	vld [tilespmem:s30+$0xD230]  }
0x59: {  	v7 =	vld [tilespmem:s30+$0xD260]  }
0x5a: {  	[tilespmem:s30+$0x17200] =	vst v3;
	v2 =	vadd.f32 v2, v5;
	v3 =	vld [tilespmem:s30+$0x3240]  }
0x5b: {  	v5 =	vld [tilespmem:s30+$0xD240]  }
0x5c: {  	[tilespmem:s30+$0x17210] =	vst v2;
	v1 =	vadd.f32 v1, v4;
	v2 =	vld [tilespmem:s30+$0x3250]  }
0x5d: {  	v4 =	vld [tilespmem:s30+$0xD250]  }
0x5e: {  	[tilespmem:s30+$0x17220] =	vst v1;
	v1 =	vld [tilespmem:s30+$0x3260];
	_ =	sdelay $0x1  }
0x5f: {  	v0 =	vadd.f32 v0, v6  }
0x60: {  	s29 =	smul.u32 $0x280, s28;
	v3 =	vadd.f32 v5, v3  }
0x61: {  	[tilespmem:s30+$0x17230] =	vst v0;
	v0 =	vadd.f32 v4, v2  }
0x62: {  	s1 =	sadd.s32 s4, s29;
	[tilespmem:s30+$0x17240] =	vst v3;
	v1 =	vadd.f32 v7, v1  }
0x63: {  	s1 =	sshll.u32 s1, $0x3;
	[tilespmem:s30+$0x17250] =	vst v0  }
0x64: {  	s1 =	sadd.s32 s2, s1;
	[tilespmem:s30+$0x17260] =	vst v1  }
0x65: {  	[hbm4b:s1+s5] =	stream.linear.scatter [tilespmem:s23], [sflag:$0x6], $0x5000, $0x38;
	[tilespmem:$0x1E208] =	vst v63  }
0x66: {  	p1 =	seq.s32 s28, $0x9;
	_ =	swait.ge [sflag:s12], $0x5000  }
0x67: {  	s31 =	simm.s32 @!p1 $0x3200;
	[sflag:s12] =	ssyncset.done $0x0  }
0x68: {  	s30 =	simm.s32 @!p1 $0x140;
	s1 =	sadd.s32 @!p1 $0x280, s29;
	[sflag:s12] =	ssyncadd.s32 $0xFFFFB000  }
0x69: {  	[tilespmem:s31], [sflag:$0x2] =	stream.indirect.gather @!p1 [hbm4b:s7+s30], $0x40, s1, s30, $0xb8;
	[tilespmem:$0x1E208] =	vst v63  }
0x6a: {  	s1 =	sadd.s32 @!p1 $0x1B80, s29;
	s31 =	simm.s32 @!p1 $0xD200  }
0x6b: {  	[tilespmem:s31], [sflag:$0x4] =	stream.indirect.gather @!p1 [spmem:s3], $0x40, s1, s30, $0xb8;
	[tilespmem:$0x1E208] =	vst v63  }
0x6c: {  	_ =	swait.ge [sflag:s24], $0x5000  }
0x6d: {  	[sflag:s24] =	ssyncset.done $0x0  }
0x6e: {  	[sflag:s24] =	ssyncadd.s32 $0xFFFFB000  }
0x6f: {  	_ =	swait.ge [sflag:s25], $0x5000  }
0x70: {  	[sflag:s25] =	ssyncset.done $0x0  }
0x71: {  	s30 =	simm.s32 $0x0;
	[sflag:s25] =	ssyncadd.s32 $0xFFFFB000  }
0x72: {  	v0 =	vld [tilespmem:s30+$0x8270]  }
0x73: {  	v1 =	vld [tilespmem:s30+$0x12270]  }
0x74: {  	v2 =	vld [tilespmem:s30+$0x8200]  }
0x75: {  	v3 =	vld [tilespmem:s30+$0x12200]  }
0x76: {  	v4 =	vld [tilespmem:s30+$0x8210]  }
0x77: {  	v5 =	vld [tilespmem:s30+$0x12210]  }
0x78: {  	v6 =	vld [tilespmem:s30+$0x8220]  }
0x79: {  	v7 =	vld [tilespmem:s30+$0x8230]  }
0x7a: {  	v0 =	vadd.f32 v1, v0;
	v1 =	vld [tilespmem:s30+$0x12220]  }
0x7b: {  	v8 =	vld [tilespmem:s30+$0x12230]  }
0x7c: {  	v9 =	vld [tilespmem:s30+$0x12240];
	v2 =	vadd.f32 v3, v2  }
0x7d: {  	[tilespmem:s30+$0x17270] =	vst v0;
	v0 =	vadd.f32 v5, v4;
	v5 =	vld [tilespmem:s30+$0x8240]  }
0x7e: {  	v3 =	vld [tilespmem:s30+$0x12250];
	[tilespmem:s30+$0x17200] =	vst v2  }
0x7f: {  	v2 =	vld [tilespmem:s30+$0x8250];
	[tilespmem:s30+$0x17210] =	vst v0;
	v0 =	vadd.f32 v1, v6  }
0x80: {  	v4 =	vld [tilespmem:s30+$0x12260];
	v6 =	vadd.f32 v8, v7  }
0x81: {  	s31 =	simm.s32 $0x80;
	[tilespmem:s30+$0x17220] =	vst v0;
	v0 =	vld [tilespmem:s30+$0x8260]  }
0x82: {  	s1 =	simm.s32 $0x400;
	v5 =	vadd.f32 v9, v5;
	v1 =	vld [tilespmem:s31+$0x8270];
	[tilespmem:s30+$0x17230] =	vst v6  }
.LBB2_5:
0x83: {  	p2 =	sne.s32 s1, $0x13E00;
	v6 =	vld [tilespmem:s31+$0x12270]  }
0x84: {  	v7 =	vld [tilespmem:s31+$0x8200];
	[tilespmem:s30+$0x17240] =	vst v5;
	v2 =	vadd.f32 v3, v2  }
0x85: {  	v3 =	vld [tilespmem:s31+$0x12200]  }
0x86: {  	v5 =	vld [tilespmem:s31+$0x8210];
	[tilespmem:s30+$0x17250] =	vst v2;
	v0 =	vadd.f32 v4, v0  }
0x87: {  	v2 =	vld [tilespmem:s31+$0x12210]  }
0x88: {  	v4 =	vld [tilespmem:s31+$0x8220];
	v1 =	vadd.f32 v6, v1;
	[tilespmem:s30+$0x17260] =	vst v0;
	s30 =	smov.u32 s31  }
0x89: {  	v0 =	vld [tilespmem:s30+$0x12220]  }
0x8a: {  	v3 =	vadd.f32 v3, v7;
	v6 =	vld [tilespmem:s30+$0x8230];
	[tilespmem:s30+$0x17270] =	vst v1  }
0x8b: {  	v1 =	vld [tilespmem:s30+$0x12230]  }
0x8c: {  	[tilespmem:s30+$0x17200] =	vst v3;
	v2 =	vadd.f32 v2, v5;
	v5 =	vld [tilespmem:s30+$0x8240]  }
0x8d: {  	v7 =	vld [tilespmem:s30+$0x12240]  }
.Ltmp3:
0x8e: {  	[tilespmem:s30+$0x17210] =	vst v2;
	v0 =	vadd.f32 v0, v4;
	v2 =	vld [tilespmem:s30+$0x8250];
	(pc) =	sbr.rel @p2 .LBB2_5-.Ltmp3, $4  }
0x8f: {  	v3 =	vld [tilespmem:s30+$0x12250]  }
0x90: {  	[tilespmem:s30+$0x17220] =	vst v0;
	v6 =	vadd.f32 v1, v6;
	v0 =	vld [tilespmem:s30+$0x8260]  }
0x91: {  	s31 =	sshra.s32 s1, $0x2;
	v4 =	vld [tilespmem:s30+$0x12260]  }
0x92: {  	s1 =	sadd.s32 $0x200, s1;
	v1 =	vld [tilespmem:s31+$0x8270];
	[tilespmem:s30+$0x17230] =	vst v6;
	v5 =	vadd.f32 v7, v5  }
0x93: {  	v6 =	vld [tilespmem:s31+$0x12270]  }
0x94: {  	v7 =	vld [tilespmem:s31+$0x8200];
	[tilespmem:s30+$0x17240] =	vst v5;
	v2 =	vadd.f32 v3, v2  }
0x95: {  	v51 =	vld [tilespmem:s31+$0x12200]  }
0x96: {  	v5 =	vld [tilespmem:s31+$0x8210];
	[tilespmem:s30+$0x17250] =	vst v2;
	v0 =	vadd.f32 v4, v0  }
0x97: {  	v2 =	vld [tilespmem:s31+$0x12210]  }
0x98: {  	v52 =	vld [tilespmem:s31+$0x8220];
	[tilespmem:s30+$0x17260] =	vst v0  }
0x99: {  	v54 =	vld [tilespmem:s31+$0x12220]  }
0x9a: {  	v55 =	vld [tilespmem:s31+$0x8230]  }
0x9b: {  	v56 =	vld [tilespmem:s31+$0x12230]  }
0x9c: {  	v57 =	vld [tilespmem:s31+$0x8240]  }
0x9d: {  	v58 =	vld [tilespmem:s31+$0x12240]  }
0x9e: {  	v59 =	vld [tilespmem:s31+$0x8250]  }
0x9f: {  	v53 =	vadd.f32 v6, v1;
	v60 =	vld [tilespmem:s31+$0x12250]  }
0xa0: {  	v61 =	vld [tilespmem:s31+$0x8260];
	v3 =	vadd.f32 v51, v7  }
0xa1: {  	v62 =	vld [tilespmem:s31+$0x12260];
	[tilespmem:s31+$0x17270] =	vst v53;
	v2 =	vadd.f32 v2, v5  }
0xa2: {  	[tilespmem:s31+$0x17200] =	vst v3;
	v1 =	vadd.f32 v54, v52  }
0xa3: {  	[tilespmem:s31+$0x17210] =	vst v2;
	v0 =	vadd.f32 v56, v55  }
0xa4: {  	v3 =	vadd.f32 v58, v57;
	[tilespmem:s31+$0x17220] =	vst v1  }
0xa5: {  	s1 =	sadd.s32 s29, s9;
	v63 =	vadd.f32 v60, v59;
	[tilespmem:s31+$0x17230] =	vst v0  }
0xa6: {  	s1 =	sshll.u32 s1, $0x3;
	[tilespmem:s31+$0x17240] =	vst v3;
	v1 =	vadd.f32 v62, v61  }
0xa7: {  	s1 =	sand.u32 $0x1FFFFE00, s1;
	[tilespmem:s31+$0x17250] =	vst v63  }
.Ltmp4:
0xa8: {  	s1 =	sadd.s32 s2, s1;
	[tilespmem:s31+$0x17260] =	vst v1;
	(pc) =	sbr.rel @p1 .LBB2_8-.Ltmp4, $4  }
0xa9: {  	[hbm4b:s1+s5] =	stream.linear.scatter [tilespmem:s23], [sflag:$0x6], $0x5000, $0x38;
	[tilespmem:$0x1E208] =	vst v63  }
0xaa: {  	_ =	swait.ge [sflag:s12], $0x5000  }
0xab: {  	[sflag:s12] =	ssyncset.done $0x0  }
0xac: {  	[sflag:s12] =	ssyncadd.s32 $0xFFFFB000  }
.Ltmp5:
0xad: {  	(pc) =	sbr.rel .LBB2_2-.Ltmp5, $4  }
0xae: {  	s1 =	sadd.s32 $0x3C0, s29  }
0xaf: {  	[tilespmem:s18], [sflag:$0x3] =	stream.indirect.gather [hbm4b:s7+s15], $0x40, s1, s15, $0xb8;
	[tilespmem:$0x1E208] =	vst v63  }
0xb0: {  	s31 =	sadd.s32 $0x1CC0, s29;
	s28 =	sadd.s32 $0x1, s28  }
0xb1: {  	[tilespmem:s20], [sflag:$0x5] =	stream.indirect.gather [spmem:s3], $0x40, s31, s15, $0xb8;
	[tilespmem:$0x1E208] =	vst v63  }
.LBB2_9:
0xb2: {  	_ =	sfence.sel $0x180000  }
0xb3: {  	[bflag:$0x0] =	sbarrier.arrive $0xFFFF  }
0xb4: {  	_ =	strace $0x9000004A  }
0xb5: {  	[bflag:$0x2] =	sbarrier.arrive $0xFFFF  }
0xb6: {  	s0 =	rddreg [dreg:$0x4]  }
0xb7: {  	s0 =	sadd.s32 @!p0 $0x100000, s0  }
0xb8: {  	[sflag:s0] =	ssyncadd.tile.s32 @!p0 $0x1;
	_ =	shalt  }
.Lfunc_end2:
_tile_overlayer_lowered:
.L_overlay_start_2:
0xb9: {  	(tag) =	ssettag $0x2  }
0xba: {  	s0 =	rddreg [dreg:$0x0];
	s2 =	stileid.u32  }
0xbb: {  	s1 =	rddreg [dreg:$0x1];
	p0 =	sne.s32 s2, $0x0  }
0xbc: {  	s3 =	rddreg [dreg:$0x2];
	[bflag:$0x3] =	sbarrier.arrive $0xFFFF;
	s2 =	simm.s32 @!p0 $0x1C06  }
0xbd: {  	[timem:s3], [sflag:s2] =	dma.local @!p0 [hbm:s0], s1  }
0xbe: {  	s0 =	simm.s32 @!p0 $0x6  }
0xbf: {  	_ =	swait.ge @!p0 [sflag:s0], s1  }
0xc0: {  	s1 =	ssub.s32 @!p0 $0x0, s1;
	[sflag:s0] =	ssyncset.done @!p0 $0x0  }
0xc1: {  	[sflag:s0] =	ssyncadd.s32 @!p0 s1  }
0xc2: {  	[bflag:$0x3] =	sbarrier.arrive $0xFFFF  }
0xc3: {  	_ =	shalt  }

// kernel: sparse-core-data-format-call.cloned.1.call-start
scs
called_computation_lowered:
.L_overlay_start_0:
0x0: {  	s2 =	sld [smem:$0x3FD9]  }
0x1: {  	s3 =	sld [smem:$0x3FFE];
	_ =	sdelay $0x1  }
0x2: {  	s1 =	srdreg.scid  }
0x3: {  	s0 =	sand.u32 $0x1, s1  }
0x4: {  	s18 =	sshll.u32 s0, $0xA;
	s2 =	sadd.s32 s3, s2  }
0x5: {  	s2 =	sadd.s32 s2, s18  }
0x6: {  	[smem:$0x3FC3] =	sst s2  }
0x7: {  	_ = 	snop  }
0x8: {  	s2 =	sld [smem:$0x3FD0];
	(tm) =	ssettm $0x1  }
0x9: {  	s19 =	sld [smem:$0x3FFB];
	_ =	sdelay $0x3  }
0xa: {  	_ =	strace s19  }
0xb: {  	s3 =	sld [smem:$0x3FFC];
	_ =	sdelay $0x3  }
0xc: {  	_ =	strace s3  }
0xd: {  	s3 =	sld [smem:$0x3FFD];
	_ =	sdelay $0x3  }
0xe: {  	_ =	strace s3  }
0xf: {  	_ =	strace $0x8FFFFFFF  }
0x10: {  	s20 =	sld [smem:$0x3FDB];
	_ =	sdelay $0x1  }
0x11: {  	s4 =	simm.s32 $_scs_section_size  }
0x12: {  	s5 =	simm.s32 $_size__tile_overlayer_lowered;
	s6 =	simm.s32 $_tile_overlayer_lowered  }
0x13: {  	s23 =	simm.s32 $0x1BFF;
	s22 =	sshll.u32 s6, $0x1;
	s3 =	sadd.s32 s4, s20  }
0x14: {  	s7 =	simm.s32 $0x0;
	s21 =	sshll.u32 s5, $0x1;
	s5 =	sadd.s32 s22, s3  }
0x15: {  	[timem:s7], [sflag:s23] =	dma.local [hbm:s5], s21  }
0x16: {  	_ =	swait.ge [sflag:s23], s21  }
0x17: {  	s4 =	ssub.s32 $0x0, s21;
	[sflag:s23] =	ssyncset.done $0x0  }
0x18: {  	[sflag:s23] =	ssyncadd.s32 s4;
	_ =	sdelay $0x1  }
0x19: {  	s24 =	simm.s32 $0x1B8B  }
0x1a: {  	_ =	swait.ge [sflag:s24], $0x1  }
0x1b: {  	[sflag:s24] =	ssyncset.done $0x0  }
0x1c: {  	s26 =	simm.s32 $0x1B8E;
	s25 =	sld [smem:$0x3FFE];
	[sflag:s24] =	ssyncadd.s32 $0xFFFFFFFF  }
0x1d: {  	s27 =	simm.s32 $execute0_lowered;
	[smem:$0x3FD2] =	sst s26  }
0x1e: {  	s5 =	sshll.u32 s27, $0x1;
	_ =	strace $0x8000004C;
	[dreg:$0x1] =	wrdreg $0xFFFFFFFF  }
0x1f: {  	s28 =	simm.s32 $_size_execute0_lowered;
	s3 =	sadd.s32 s3, s5;
	[dreg:$0x0] =	wrdreg $0x0  }
0x20: {  	s5 =	sshll.u32 s28, $0x1;
	[dreg:$0x2] =	wrdreg s3  }
0x21: {  	[dreg:$0x3] =	wrdreg s5  }
0x22: {  	[dreg:$0x4] =	wrdreg $0xC0  }
0x23: {  	_ =	task [dreg:s7], $0x5FFFF  }
0x24: {  	[dreg:$0x1] =	wrdreg $0xFFFFFFFF  }
0x25: {  	[dreg:$0x0] =	wrdreg $0x60  }
0x26: {  	[dreg:$0x2] =	wrdreg s25  }
0x27: {  	[dreg:$0x3] =	wrdreg s2  }
0x28: {  	[dreg:$0x4] =	wrdreg $0x9  }
0x29: {  	_ =	task.clear_ibuf [dreg:s7], $0x5FFFF;
	_ =	strace $0x9000004C  }
0x2a: {  	s29 =	simm.s32 $0x9;
	_ =	strace $0x8000004E  }
0x2b: {  	_ =	swait.ge [sflag:s29], $0x1  }
0x2c: {  	[sflag:s29] =	ssyncadd.s32 $0xFFFFFFFF  }
0x2d: {  	_ =	strace $0x9000004E  }
0x2e: {  	_ =	sfence  }
0x2f: {  	s30 =	sld [smem:$0x0];
	_ =	sdelay $0x2  }
0x30: {  	s31 =	sshll.u32 s1, $0xD;
	s1 =	sshrl.u32 s1, $0x2  }
0x31: {  	s3 =	sand.u32 $0x4000, s31;
	s1 =	sadd.s32 s1, s30  }
0x32: {  	s0 =	sor.u32 s3, s0;
	s1 =	sshll.u32 s1, $0x11  }
0x33: {  	s0 =	sor.u32 s1, s0  }
0x34: {  	s0 =	sadd.s32 $0x8F2B, s0  }
0x35: {  	[sflag:s0] =	ssyncadd.remote.s32 $0x1  }
0x36: {  	_ =	sfence.sel $0xFFFF  }
0x37: {  	[dreg:$0x0] =	wrdreg $0xFFFFFFFF;
	(pc) =	sbr.abs _section_cstart, $3  }
0x38: {  	[dreg:$0x1] =	wrdreg $0xFFFFFFFF  }
0x39: {  	_ =	task.clear_ibuf [dreg:s7], $0x2FFFF;
	_ =	strace $0x9FFFFFFF  }
0x3a: {  	(tm) =	ssettm $0x7FFFFFFF  }
0x3b: {  	_ =	shalt  }
tec
execute0_lowered:
.L_overlay_start_1:
0x0: {  	(tag) =	ssettag $0x1  }
0x1: {  	s0 =	stileid.u32;
	s6 =	rddreg [dreg:$0x0]  }
0x2: {  	s2 =	rddreg [dreg:$0x1];
	s5 =	srdreg.scid  }
0x3: {  	s31 =	simm.s32 $0x2;
	s13 =	simm.s32 $0x0;
	s1 =	sshll.u32 s0, $0x7  }
0x4: {  	s14 =	simm.s32 $0x0;
	s12 =	simm.s32 $0x0;
	s3 =	sand.u32 $0x380, s1  }
0x5: {  	s5 =	sshll.u32 s5, $0x4;
	s6 =	sadd.s32 $0x1200, s6;
	s4 =	ssub.s32 $0x400, s3  }
0x6: {  	s1 =	rddreg [dreg:$0x2];
	_ =	strace $0x8000004D;
	s7 =	sand.u32 $0x380, s4  }
0x7: {  	s5 =	sand.u32 $0x10, s5;
	p0 =	sne.s32 s7, $0x0;
	s7 =	simm.s32 $0x1  }
.Ltmp0:
0x8: {  	s8 =	sshrl.u32 s4, $0xA;
	s7 =	simm.s32 @!p0 $0x0;
	(pc) =	sbr.rel .LBB1_1-.Ltmp0, $4  }
0x9: {  	s9 =	sor.u32 s0, s5;
	s4 =	simm.s32 $0x1;
	s30 =	sadd.s32 s7, s8  }
0xa: {  	s11 =	smov.u32 s3;
	[sflag:s4] =	ssyncpa.u1 $0x0;
	s5 =	smul.u32 $0x32, s30  }
0xb: {  	[sflag:s31] =	ssyncpa.u1 $0x0;
	p0 =	por $0x0, $0x0;
	s7 =	sshrl.u32 s9, $0x3  }
0xc: {  	s9 =	simm.s32 $0x2000;
	s10 =	smov.u32 s7;
	s8 =	sor.u32 $0x1, s5  }
.LBB1_4:
0xd: {  	s17 =	sand.u32 $0x1F80, s14;
	s13 =	sshll.u32 s13, $0xD  }
0xe: {  	[tilespmem:s16+$0x810 ss:$0x81] =	vst.msk $0xffff, v2;
	s18 =	sshrl.u32 s14, $0x3;
	s31 =	sand.u32 $0x7, s14;
	s17 =	sadd.s32 s2, s17  }
0xf: {  	[tilespmem:s16+$0x1020 ss:$0x81] =	vst.msk $0xffff, v0;
	s18 =	sand.u32 $0xF, s18;
	s14 =	sshll.u32 s31, $0x12;
	s13 =	sadd.s32 s13, s17  }
0x10: {  	[tilespmem:s16+$0x0 ss:$0x81] =	vst.msk $0xffff, v1;
	s14 =	sor.u32 $0x400, s14;
	s13 =	sadd.s32 s18, s13  }
0x11: {  	[hbm4b:s13+s14] =	stream.strided.scatter [tilespmem:s15], [sflag:$0x2], $0x2000, s9, s14, $0x20;
	[tilespmem:$0x8080] =	vst v63  }
.LBB1_5:
0x12: {  	s15 =	sadd.s32 $0x4, s10  }
0x13: {  	s13 =	sadd.s32 $0x400, s11;
	s17 =	smov.u32 s11;
	p2 =	sgt.s32 s15, $0xC7  }
0x14: {  	s17 =	smov.u32 @p2 s13  }
0x15: {  	s15 =	smov.u32 @p2 s7;
	p2 =	sgt.s32 s17, $0x3FF  }
0x16: {  	s17 =	smov.u32 @p2 s3;
	p2 =	sne.s32 s12, s8  }
.Ltmp1:
0x17: {  	p1 =	slt.u32 s12, $0x2;
	(pc) =	sbr.rel @!p2 .LBB1_6-.Ltmp1, $4  }
0x18: {  	s16 =	simm.s32 @!p1 $0x2  }
0x19: {  	s14 =	smov.u32 s11;
	p0 =	por !p0, !p0;
	_ =	swait.ge @!p1 [sflag:s16], $0x2000  }
0x1a: {  	s13 =	smov.u32 s10;
	[sflag:s16] =	ssyncset.done @!p1 $0x0;
	s10 =	smov.u32 s15  }
0x1b: {  	s12 =	sadd.s32 $0x1, s12;
	[sflag:s16] =	ssyncadd.s32 @!p1 $0xFFFFE000;
	s11 =	smov.u32 s17  }
.LBB1_1:
0x1c: {  	p1 =	sge.u32 s12, s5  }
0x1d: {  	s15 =	sand.u32 @!p1 $0x1FFFFFF, s10  }
0x1e: {  	s16 =	smulhi.u32 @!p1 $0x147AE15, s15;
	_ =	sdelay $0x1  }
0x1f: {  	s16 =	smul.u32 @!p1 $0xC8, s16  }
0x20: {  	s17 =	sxor.u32 @!p1 $0xFFFFFFFF, s12;
	s18 =	smul.u32 @!p1 $0xC80, s11  }
0x21: {  	s31 =	sadd.s32 $0xFFFFFFFF, s12;
	s17 =	sshll.u32 @!p1 s17, $0xD;
	s15 =	ssub.s32 @!p1 s15, s16  }
0x22: {  	s16 =	sand.u32 @!p1 $0x2000, s17;
	s17 =	sadd.s32 @!p1 s6, s18;
	s15 =	sshll.u32 @!p1 s15, $0x4  }
0x23: {  	s18 =	simm.s32 @!p1 $0x6400;
	s15 =	sadd.s32 @!p1 s15, s17;
	s17 =	simm.s32 @!p1 $0x40  }
0x24: {  	[tilespmem:s16], [sflag:$0x1] =	stream.strided.gather @!p1 [hbm4b:s15+s17], $0x2000, s18, s17, $0x38;
	[tilespmem:$0x8080] =	vst v63  }
0x25: {  	p1 =	sge.u32 s31, s5  }
.Ltmp2:
0x26: {  	_ = 	snop;
	(pc) =	sbr.rel @p1 .LBB1_5-.Ltmp2, $1  }
0x27: {  	_ =	sdelay $0x3  }
0x28: {  	s15 =	simm.s32 $0x1  }
0x29: {  	_ =	swait.ge [sflag:s4], $0x2000;
	s15 =	simm.s32 @!p0 $0x0  }
0x2a: {  	[sflag:s4] =	ssyncset.done $0x0;
	s16 =	sshll.u32 s15, $0xD  }
0x2b: {  	[sflag:s4] =	ssyncadd.s32 $0xFFFFE000;
	s19 =	sor.u32 $0x20, s16  }
0x2c: {  	s15 =	smul.u32 $0x8100, s15;
	v3 =	vld [tilespmem:s19+$0x10]  }
0x2d: {  	s30 =	sand.u32 $0x1, s12;
	v2 =	vld [tilespmem:s19+$0xFFFFFFF0]  }
0x2e: {  	s16 =	smul.u32 $0x8100, s30;
	s15 =	sshrl.u32 s15, $0x2;
	v0 =	vld [tilespmem:s19+$0x0]  }
0x2f: {  	v1 =	vld [tilespmem:s19+$0xFFFFFFE0];
	s17 =	sor.u32 $0x4000, s15  }
0x30: {  	s31 =	sshrl.u32 s16, $0x2;
	s16 =	sadd.s32 $0x0, s17  }
0x31: {  	s18 =	simm.s32 $0x4;
	s19 =	sadd.s32 $0x40, s19;
	s15 =	sor.u32 $0x4000, s31;
	[tilespmem:s16+$0x1830 ss:$0x81] =	vst.msk $0xffff, v3  }
.LBB1_3:
0x32: {  	v3 =	vld [tilespmem:s19+$0x10];
	p1 =	sne.s32 s18, $0x1FC;
	[tilespmem:s16+$0x810 ss:$0x81] =	vst.msk $0xffff, v2;
	s20 =	smov.u32 s18;
	s18 =	sadd.s32 $0x4, s18  }
.Ltmp3:
0x33: {  	v2 =	vld [tilespmem:s19+$0xFFFFFFF0];
	[tilespmem:s16+$0x1020 ss:$0x81] =	vst.msk $0xffff, v0;
	(pc) =	sbr.rel @p1 .LBB1_3-.Ltmp3, $4  }
0x34: {  	v0 =	vld [tilespmem:s19+$0x0];
	[tilespmem:s16+$0x0 ss:$0x81] =	vst.msk $0xffff, v1  }
0x35: {  	s16 =	sshra.s32 s20, $0x2;
	v1 =	vld [tilespmem:s19+$0xFFFFFFE0]  }
0x36: {  	s16 =	sadd.s32 s16, s17  }
0x37: {  	s19 =	sadd.s32 $0x40, s19;
	[tilespmem:s16+$0x1830 ss:$0x81] =	vst.msk $0xffff, v3  }
.Ltmp4:
0x38: {  	_ = 	snop;
	(pc) =	sbr.rel .LBB1_4-.Ltmp4, $1  }
0x39: {  	_ =	sdelay $0x3  }
.LBB1_6:
0x3a: {  	_ =	sfence.sel $0x180000  }
0x3b: {  	s2 =	simm.s32 $0x1;
	[bflag:$0x0] =	sbarrier.arrive $0xFFFF  }
0x3c: {  	s31 =	simm.s32 $0x2;
	[sflag:s2] =	ssyncpa.u1 $0x1  }
0x3d: {  	[sflag:s31] =	ssyncpa.u1 $0x1  }
0x3e: {  	p0 =	sne.s32 s0, $0x0;
	_ =	strace $0x9000004D  }
0x3f: {  	s0 =	sadd.s32 @!p0 $0x100000, s1;
	[bflag:$0x2] =	sbarrier.arrive $0xFFFF  }
0x40: {  	[sflag:s0] =	ssyncadd.tile.s32 @!p0 $0x1;
	_ =	shalt  }
.Lfunc_end1:
_tile_overlayer_lowered:
.L_overlay_start_2:
0x41: {  	(tag) =	ssettag $0x2  }
0x42: {  	s0 =	rddreg [dreg:$0x0];
	s2 =	stileid.u32  }
0x43: {  	s1 =	rddreg [dreg:$0x1];
	p0 =	sne.s32 s2, $0x0  }
0x44: {  	s3 =	rddreg [dreg:$0x2];
	[bflag:$0x3] =	sbarrier.arrive $0xFFFF;
	s2 =	simm.s32 @!p0 $0x1C01  }
0x45: {  	[timem:s3], [sflag:s2] =	dma.local @!p0 [hbm:s0], s1  }
0x46: {  	s0 =	simm.s32 @!p0 $0x1  }
0x47: {  	_ =	swait.ge @!p0 [sflag:s0], s1  }
0x48: {  	s1 =	ssub.s32 @!p0 $0x0, s1;
	[sflag:s0] =	ssyncset.done @!p0 $0x0  }
0x49: {  	[sflag:s0] =	ssyncadd.s32 @!p0 s1  }
0x4a: {  	[bflag:$0x3] =	sbarrier.arrive $0xFFFF  }
0x4b: {  	_ =	shalt  }

</sc_bundles>
